<compile_context>
chip_gen: v7x
topology: tpu7x:2x2x1
jax: 0.10.2.dev20260603
libtpu: 0.0.44.dev20260713+nightly
codegen_flags: <defaults>
</compile_context>

<pallas_src>
import functools
import jax
import jax.numpy as jnp
from jax import lax
from jax.experimental import pallas as pl
from jax.experimental.pallas import tpu as pltpu
from jax.experimental.pallas import tpu_sc as plsc

N = 100000
E = 6400000
IN_DIM = 4
HID = 32

NC = 2
NS = 16

L1_LANES, L1_SUB = 256, 3
L2_LANES, L2_SUB = 256, 3
C1 = L1_LANES * L1_SUB
C2 = L2_LANES * L2_SUB

import math
_GRAIN = math.lcm(NC * NS * C1, NS * C2)
EP = (E + _GRAIN - 1) // _GRAIN * _GRAIN
EPX = EP + max(C1, C2)
NACC = ((N + 1) + NS * 8 - 1) // (NS * 8) * (NS * 8)
ZCH = NACC // NS

_MESH = plsc.VectorSubcoreMesh(core_axis_name="c", subcore_axis_name="s")


def _sc_agg(table, idx2d, dst2d, zeros, split_edges, lanes, sub, width):
    chunk = lanes * sub
    idxrows = EP // lanes
    rows_per_sub = idxrows // ((NC * NS) if split_edges else NS)
    n_bodies = rows_per_sub // sub
    stacked = table.shape[0] == NC

    @functools.partial(
        pl.kernel,
        out_type=jax.ShapeDtypeStruct((NC, NACC, width), jnp.float32),
        mesh=_MESH,
        scratch_types=[
            pltpu.VMEM((2, sub, lanes), jnp.int32),
            pltpu.VMEM((2, sub, lanes), jnp.int32),
            pltpu.VMEM((2 * chunk, width), jnp.float32),
            pltpu.VMEM_SHARED((NACC, width), jnp.float32),
            pltpu.SemaphoreType.DMA,
            pltpu.SemaphoreType.DMA,
            pltpu.SemaphoreType.DMA,
            pltpu.SemaphoreType.DMA,
        ],
        compiler_params=pltpu.CompilerParams(use_tc_tiling_on_sc=False),
    )
    def k(table_h, idx_h, dst_h, zeros_h, out_h,
          sbuf, dbuf, rows_v, acc, gsem, ssem, isem, dsem):
        c = lax.axis_index("c")
        s = lax.axis_index("s")
        tab = table_h.at[c] if stacked else table_h.at[0]
        zb = s * ZCH
        pltpu.sync_copy(zeros_h.at[pl.ds(zb, ZCH)], acc.at[pl.ds(zb, ZCH)])
        plsc.subcore_barrier()

        if split_edges:
            row0 = (c * NS + s) * rows_per_sub
        else:
            row0 = s * rows_per_sub

        def drain_scatters(sem):
            for j in range(sub):
                pltpu.make_async_copy(
                    zeros_h.at[pl.ds(0, lanes)],
                    rows_v.at[pl.ds(j * lanes, lanes)], sem).wait()

        def drain_ibuf(buf, sem):
            pltpu.make_async_copy(idx_h.at[pl.ds(row0, sub)], buf, sem).wait()

        pltpu.sync_copy(idx_h.at[pl.ds(row0, sub)], sbuf.at[0])

        def body(i, carry):
            p = i & 1

            @pl.when(i > 1)
            def _():
                drain_scatters(ssem)

            pltpu.async_copy(dst_h.at[pl.ds(row0 + i * sub, sub)],
                             dbuf.at[p], dsem)

            @pl.when(i > 0)
            def _():
                drain_ibuf(sbuf.at[p], isem)

            g = [
                pltpu.async_copy(tab.at[sbuf.at[p, j]],
                                 rows_v.at[pl.ds(p * chunk + j * lanes, lanes)],
                                 gsem)
                for j in range(sub)
            ]
            pltpu.async_copy(idx_h.at[pl.ds(row0 + (i + 1) * sub, sub)],
                             sbuf.at[1 - p], isem)
            for cp in g:
                cp.wait()
            drain_ibuf(dbuf.at[p], dsem)
            for j in range(sub):
                pltpu.async_copy(rows_v.at[pl.ds(p * chunk + j * lanes, lanes)],
                                 acc.at[dbuf.at[p, j]], ssem, add=True)
            return carry

        lax.fori_loop(0, n_bodies, body, 0)
        drain_scatters(ssem)
        drain_scatters(ssem)
        drain_ibuf(sbuf.at[0], isem)
        plsc.subcore_barrier()
        pltpu.sync_copy(acc.at[pl.ds(zb, ZCH)], out_h.at[c, pl.ds(zb, ZCH)])

    return k(table, idx2d, dst2d, zeros)


BR = 1000


def _tc_layer1(P, W1p, b1):
    def body(p_ref, w_ref, b_ref, h_ref, dinv_ref):
        sblk = p_ref[0] + p_ref[1]
        dinv = 1.0 / jnp.maximum(sblk[:, 4:5], 1.0)
        mean = sblk * dinv
        h = jnp.dot(mean, w_ref[...], preferred_element_type=jnp.float32)
        h = jnp.maximum(h + b_ref[...], 0.0)
        h_ref[0] = h[:, :16]
        h_ref[1] = h[:, 16:]
        dinv_ref[...] = jnp.broadcast_to(dinv, (BR, 8))

    return pl.pallas_call(
        body,
        grid=(N // BR,),
        in_specs=[
            pl.BlockSpec((NC, BR, 16), lambda i: (0, i, 0)),
            pl.BlockSpec((16, HID), lambda i: (0, 0)),
            pl.BlockSpec((1, HID), lambda i: (0, 0)),
        ],
        out_specs=[
            pl.BlockSpec((NC, BR, 16), lambda i: (0, i, 0)),
            pl.BlockSpec((BR, 8), lambda i: (i, 0)),
        ],
        out_shape=[
            jax.ShapeDtypeStruct((NC, N, 16), jnp.float32),
            jax.ShapeDtypeStruct((N, 8), jnp.float32),
        ],
    )(P, W1p, b1)


def _tc_layer2(A, dinv8, W2s, b2):
    def body(a_ref, d_ref, w_ref, b_ref, o_ref):
        acc = jnp.dot(a_ref[0], w_ref[0], preferred_element_type=jnp.float32)
        acc += jnp.dot(a_ref[1], w_ref[1], preferred_element_type=jnp.float32)
        o_ref[...] = jnp.maximum(acc * d_ref[:, 0:1] + b_ref[...], 0.0)

    return pl.pallas_call(
        body,
        grid=(N // BR,),
        in_specs=[
            pl.BlockSpec((NC, BR, 16), lambda i: (0, i, 0)),
            pl.BlockSpec((BR, 8), lambda i: (i, 0)),
            pl.BlockSpec((NC, 16, HID), lambda i: (0, 0, 0)),
            pl.BlockSpec((1, HID), lambda i: (0, 0)),
        ],
        out_specs=pl.BlockSpec((BR, HID), lambda i: (i, 0)),
        out_shape=jax.ShapeDtypeStruct((N, HID), jnp.float32),
    )(A, dinv8, W2s, b2)


@jax.jit
def kernel(x, edge_index, W1, b1, W2, b2):
    src = edge_index[0]
    dst = edge_index[1]

    pad = EPX - E
    src_p = jnp.concatenate([src, jnp.zeros((pad,), jnp.int32)])
    dst_p = jnp.concatenate([dst, jnp.full((pad,), N, jnp.int32)])

    zeros16 = jnp.zeros((NACC, 16), jnp.float32)

    xpad = jnp.pad(x, ((0, 0), (0, 16 - IN_DIM))).at[:, 4].set(1.0)

    P = _sc_agg(xpad.reshape(1, N, 16),
                src_p.reshape(-1, L1_LANES), dst_p.reshape(-1, L1_LANES),
                zeros16, split_edges=True, lanes=L1_LANES, sub=L1_SUB, width=16)

    W1p = jnp.pad(W1, ((0, 16 - IN_DIM), (0, 0)))
    h1t, dinv8 = _tc_layer1(P, W1p, b1.reshape(1, HID))

    A = _sc_agg(h1t,
                src_p.reshape(-1, L2_LANES), dst_p.reshape(-1, L2_LANES),
                zeros16, split_edges=False, lanes=L2_LANES, sub=L2_SUB, width=16)

    W2s = W2.reshape(NC, 16, HID)
    return _tc_layer2(A, dinv8, W2s, b2.reshape(1, HID))

# --- scband reference (transcript-rebuilt; emitter-appended) ---
"""Pipeline reference for scband-regression-x1-16733192585589 (READ-ONLY COPY).

The authoritative reference and input builder live on the scoring server;
editing this copy changes nothing except your own understanding.
"""

import jax, jax.numpy as jnp
import numpy as np

N_NODES = 100000
N_EDGES = 6400000
IN_DIM = 4
HID = 32


def setup_inputs(seed: int = 0) -> dict:
    key = jax.random.key(seed)
    k1, k2, k3, k4, k5, k6 = jax.random.split(key, 6)
    x = jax.random.normal(k1, (N_NODES, IN_DIM), dtype=jnp.float32)
    edge_index = jax.random.randint(k2, (2, N_EDGES), 0, N_NODES, dtype=jnp.int32)
    W1 = jax.random.normal(k3, (IN_DIM, HID), dtype=jnp.float32) * (1.0 / np.sqrt(IN_DIM))
    b1 = jax.random.normal(k4, (HID,), dtype=jnp.float32) * 0.01
    W2 = jax.random.normal(k5, (HID, HID), dtype=jnp.float32) * (1.0 / np.sqrt(HID))
    b2 = jax.random.normal(k6, (HID,), dtype=jnp.float32) * 0.01
    return {"x": x, "edge_index": edge_index, "W1": W1, "b1": b1, "W2": W2, "b2": b2}


def reference(x, edge_index, W1, b1, W2, b2):
    n = x.shape[0]
    src = edge_index[0]
    dst = edge_index[1]
    # in-degree per destination node (DGL mean over mailbox)
    deg = jax.ops.segment_sum(jnp.ones((src.shape[0],), dtype=jnp.float32), dst, num_segments=n)
    denom = jnp.maximum(deg, 1.0)[:, None]

    def gcn_layer(h, W, b):
        # msg = copy_src(h); reduce = mean over mailbox
        m = jnp.take(h, src, axis=0)
        agg = jax.ops.segment_sum(m, dst, num_segments=n)
        mean = agg / denom
        # apply: ReLU(W h + b)
        return jax.nn.relu(mean @ W + b)

    h = gcn_layer(x, W1, b1)
    h = gcn_layer(h, W2, b2)
    return h

if __name__ == "__main__":
    import jax
    _d = setup_inputs()
    print(jax.jit(kernel)(*tuple(_d.values())))

</pallas_src>

<mosaic_0001>
#map = affine_map<(d0, d1) -> (0, 0, 0)>
#map1 = affine_map<(d0, d1) -> (0, 0)>
module attributes {stable_mosaic.version = 14 : i64} {
  func.func @k(%arg0: i32, %arg1: i32, %arg2: memref<1x100000x16xf32, #tpu.memory_space<hbm>>, %arg3: memref<25059x256xi32, #tpu.memory_space<hbm>>, %arg4: memref<25059x256xi32, #tpu.memory_space<hbm>>, %arg5: memref<100096x16xf32, #tpu.memory_space<hbm>>, %arg6: memref<2x100096x16xf32, #tpu.memory_space<hbm>>, %arg7: memref<2x3x256xi32, #tpu.memory_space<vmem>>, %arg8: memref<2x3x256xi32, #tpu.memory_space<vmem>>, %arg9: memref<1536x16xf32, #tpu.memory_space<vmem>>, %arg10: memref<100096x16xf32, #tpu.memory_space<vmem_shared>>, %arg11: memref<!tpu.dma_semaphore, #tpu.memory_space<semaphore_mem>>, %arg12: memref<!tpu.dma_semaphore, #tpu.memory_space<semaphore_mem>>, %arg13: memref<!tpu.dma_semaphore, #tpu.memory_space<semaphore_mem>>, %arg14: memref<!tpu.dma_semaphore, #tpu.memory_space<semaphore_mem>>) attributes {dimension_semantics = [#tpu.dimension_semantics<core_parallel>, #tpu.dimension_semantics<subcore_parallel>], iteration_bounds = array<i64: 2, 16>, scalar_prefetch = 0 : i64, scratch_operands = 8 : i64, tpu.core_type = #tpu.core_type<sc_vector_subcore>, window_params = [{transform_indices = #map}, {transform_indices = #map1}, {transform_indices = #map1}, {transform_indices = #map1}, {transform_indices = #map}]} {
    %mul3A = arith.constant 6256 : i32
    %mul3A_0 = arith.muli %arg1, %mul3A : i32
    "tpu.region"() ({
      %run_scoped3A_96 = tpu.sem_alloc : memref<!tpu.dma_semaphore, #tpu.memory_space<semaphore_mem>>
      %dma_start3A = arith.constant 0 : i32
      %dma_start3A_97 = tpu.memref_slice %arg10[%mul3A_0, %dma_start3A] : memref<100096x16xf32, #tpu.memory_space<vmem_shared>> -> memref<6256x16xf32, #tpu.memory_space<vmem_shared>>
      %dma_start3A_98 = arith.constant 0 : i32
      %dma_start3A_99 = tpu.memref_slice %arg5[%mul3A_0, %dma_start3A_98] : memref<100096x16xf32, #tpu.memory_space<hbm>> -> memref<6256x16xf32, #tpu.memory_space<hbm>>
      tpu.enqueue_dma source(%dma_start3A_99 : memref<6256x16xf32, #tpu.memory_space<hbm>>) target(%dma_start3A_97 : memref<6256x16xf32, #tpu.memory_space<vmem_shared>>) target_semaphore(%run_scoped3A_96 : memref<!tpu.dma_semaphore, #tpu.memory_space<semaphore_mem>>)
      %dma_wait3A_100 = arith.constant 0 : i32
      %dma_wait3A_101 = tpu.memref_slice %arg10[%mul3A_0, %dma_wait3A_100] : memref<100096x16xf32, #tpu.memory_space<vmem_shared>> -> memref<6256x16xf32, #tpu.memory_space<vmem_shared>>
      %dma_wait3A_102 = arith.constant 0 : i32
      %dma_wait3A_103 = tpu.memref_slice %arg5[%mul3A_0, %dma_wait3A_102] : memref<100096x16xf32, #tpu.memory_space<hbm>> -> memref<6256x16xf32, #tpu.memory_space<hbm>>
      tpu.wait_dma2 semaphore(%run_scoped3A_96 : memref<!tpu.dma_semaphore, #tpu.memory_space<semaphore_mem>>) src(%dma_wait3A_103 : memref<6256x16xf32, #tpu.memory_space<hbm>>) dst(%dma_wait3A_101 : memref<6256x16xf32, #tpu.memory_space<vmem_shared>>)
      tpu.yield
    }) : () -> ()
    %barrier3A = arith.constant 0 : index
    tpu.barrier barrier_id(%barrier3A)
    %mul3A_1 = arith.constant 16 : i32
    %mul3A_2 = arith.muli %arg0, %mul3A_1 : i32
    %add3A = arith.addi %mul3A_2, %arg1 : i32
    %mul3A_3 = arith.constant 783 : i32
    %mul3A_4 = arith.muli %add3A, %mul3A_3 : i32
    %run_scoped3A = arith.constant 0 : i32
    "tpu.region"() ({
      %run_scoped3A_96 = tpu.sem_alloc : memref<!tpu.dma_semaphore, #tpu.memory_space<semaphore_mem>>
      %dma_start3A = arith.constant 0 : i32
      %dma_start3A_97 = arith.constant 0 : i32
      %dma_start3A_98 = tpu.memref_slice %arg7[%run_scoped3A, %dma_start3A, %dma_start3A_97] : memref<2x3x256xi32, #tpu.memory_space<vmem>> -> memref<1x3x256xi32, #tpu.memory_space<vmem>>
      %dma_start3A_99 = tpu.memref_squeeze %dma_start3A_98 : memref<1x3x256xi32, #tpu.memory_space<vmem>> -> memref<3x256xi32, #tpu.memory_space<vmem>>
      %dma_start3A_100 = arith.constant 0 : i32
      %dma_start3A_101 = tpu.memref_slice %arg3[%mul3A_4, %dma_start3A_100] : memref<25059x256xi32, #tpu.memory_space<hbm>> -> memref<3x256xi32, #tpu.memory_space<hbm>>
      %dma_start3A_102 = arith.constant 0 : i32
      %dma_start3A_103 = arith.constant 0 : i32
      %dma_start3A_104 = tpu.memref_slice %arg7[%run_scoped3A, %dma_start3A_102, %dma_start3A_103] : memref<2x3x256xi32, #tpu.memory_space<vmem>> -> memref<1x3x256xi32, #tpu.memory_space<vmem>>
      %dma_start3A_105 = tpu.memref_squeeze %dma_start3A_104 : memref<1x3x256xi32, #tpu.memory_space<vmem>> -> memref<3x256xi32, #tpu.memory_space<vmem>>
      %dma_start3A_106 = arith.constant 0 : i32
      %dma_start3A_107 = tpu.memref_slice %arg3[%mul3A_4, %dma_start3A_106] : memref<25059x256xi32, #tpu.memory_space<hbm>> -> memref<3x256xi32, #tpu.memory_space<hbm>>
      tpu.enqueue_dma source(%dma_start3A_107 : memref<3x256xi32, #tpu.memory_space<hbm>>) target(%dma_start3A_105 : memref<3x256xi32, #tpu.memory_space<vmem>>) target_semaphore(%run_scoped3A_96 : memref<!tpu.dma_semaphore, #tpu.memory_space<semaphore_mem>>)
      %dma_wait3A_108 = arith.constant 0 : i32
      %dma_wait3A_109 = arith.constant 0 : i32
      %dma_wait3A_110 = tpu.memref_slice %arg7[%run_scoped3A, %dma_wait3A_108, %dma_wait3A_109] : memref<2x3x256xi32, #tpu.memory_space<vmem>> -> memref<1x3x256xi32, #tpu.memory_space<vmem>>
      %dma_wait3A_111 = tpu.memref_squeeze %dma_wait3A_110 : memref<1x3x256xi32, #tpu.memory_space<vmem>> -> memref<3x256xi32, #tpu.memory_space<vmem>>
      %dma_wait3A_112 = arith.constant 0 : i32
      %dma_wait3A_113 = tpu.memref_slice %arg3[%mul3A_4, %dma_wait3A_112] : memref<25059x256xi32, #tpu.memory_space<hbm>> -> memref<3x256xi32, #tpu.memory_space<hbm>>
      %dma_wait3A_114 = arith.constant 0 : i32
      %dma_wait3A_115 = arith.constant 0 : i32
      %dma_wait3A_116 = tpu.memref_slice %arg7[%run_scoped3A, %dma_wait3A_114, %dma_wait3A_115] : memref<2x3x256xi32, #tpu.memory_space<vmem>> -> memref<1x3x256xi32, #tpu.memory_space<vmem>>
      %dma_wait3A_117 = tpu.memref_squeeze %dma_wait3A_116 : memref<1x3x256xi32, #tpu.memory_space<vmem>> -> memref<3x256xi32, #tpu.memory_space<vmem>>
      %dma_wait3A_118 = arith.constant 0 : i32
      %dma_wait3A_119 = tpu.memref_slice %arg3[%mul3A_4, %dma_wait3A_118] : memref<25059x256xi32, #tpu.memory_space<hbm>> -> memref<3x256xi32, #tpu.memory_space<hbm>>
      tpu.wait_dma2 semaphore(%run_scoped3A_96 : memref<!tpu.dma_semaphore, #tpu.memory_space<semaphore_mem>>) src(%dma_wait3A_119 : memref<3x256xi32, #tpu.memory_space<hbm>>) dst(%dma_wait3A_117 : memref<3x256xi32, #tpu.memory_space<vmem>>)
      tpu.yield
    }) : () -> ()
    %scan3A = arith.constant 0 : i32
    %scan3A_5 = arith.constant 0 : i32
    %scan3A_6 = arith.constant 0 : i32
    %scan3A_7 = arith.constant 261 : i32
    %scan3A_8 = arith.addi %scan3A_6, %scan3A_7 : i32
    %scan3A_9 = arith.constant 1 : i32
    scf.for %scan3A_96 = %scan3A_6 to %scan3A_8 step %scan3A_9  : i32 {
      %and3A = arith.constant 1 : i32
      %and3A_97 = arith.andi %scan3A_96, %and3A : i32
      %gt3A = arith.constant 1 : i32
      %gt3A_98 = arith.cmpi sgt, %scan3A_96, %gt3A : i32
      %convert_element_type3A = arith.extui %gt3A_98 : i1 to i32
      %cond3A = arith.constant 0 : i32
      %cond3A_99 = arith.cmpi ne, %convert_element_type3A, %cond3A : i32
      scf.if %cond3A_99 {
        %dma_wait3A_278 = arith.constant 0 : i32
        %dma_wait3A_279 = arith.constant 0 : i32
        %dma_wait3A_280 = tpu.memref_slice %arg9[%dma_wait3A_278, %dma_wait3A_279] : memref<1536x16xf32, #tpu.memory_space<vmem>> -> memref<256x16xf32, #tpu.memory_space<vmem>>
        %dma_wait3A_281 = arith.constant 0 : i32
        %dma_wait3A_282 = arith.constant 0 : i32
        %dma_wait3A_283 = tpu.memref_slice %arg5[%dma_wait3A_281, %dma_wait3A_282] : memref<100096x16xf32, #tpu.memory_space<hbm>> -> memref<256x16xf32, #tpu.memory_space<hbm>>
        %dma_wait3A_284 = arith.constant 0 : i32
        %dma_wait3A_285 = arith.constant 0 : i32
        %dma_wait3A_286 = tpu.memref_slice %arg9[%dma_wait3A_284, %dma_wait3A_285] : memref<1536x16xf32, #tpu.memory_space<vmem>> -> memref<256x16xf32, #tpu.memory_space<vmem>>
        %dma_wait3A_287 = arith.constant 0 : i32
        %dma_wait3A_288 = arith.constant 0 : i32
        %dma_wait3A_289 = tpu.memref_slice %arg5[%dma_wait3A_287, %dma_wait3A_288] : memref<100096x16xf32, #tpu.memory_space<hbm>> -> memref<256x16xf32, #tpu.memory_space<hbm>>
        tpu.wait_dma2 semaphore(%arg12 : memref<!tpu.dma_semaphore, #tpu.memory_space<semaphore_mem>>) src(%dma_wait3A_289 : memref<256x16xf32, #tpu.memory_space<hbm>>) dst(%dma_wait3A_286 : memref<256x16xf32, #tpu.memory_space<vmem>>)
        %dma_wait3A_290 = arith.constant 256 : i32
        %dma_wait3A_291 = arith.constant 0 : i32
        %dma_wait3A_292 = tpu.memref_slice %arg9[%dma_wait3A_290, %dma_wait3A_291] : memref<1536x16xf32, #tpu.memory_space<vmem>> -> memref<256x16xf32, #tpu.memory_space<vmem>>
        %dma_wait3A_293 = arith.constant 0 : i32
        %dma_wait3A_294 = arith.constant 0 : i32
        %dma_wait3A_295 = tpu.memref_slice %arg5[%dma_wait3A_293, %dma_wait3A_294] : memref<100096x16xf32, #tpu.memory_space<hbm>> -> memref<256x16xf32, #tpu.memory_space<hbm>>
        %dma_wait3A_296 = arith.constant 256 : i32
        %dma_wait3A_297 = arith.constant 0 : i32
        %dma_wait3A_298 = tpu.memref_slice %arg9[%dma_wait3A_296, %dma_wait3A_297] : memref<1536x16xf32, #tpu.memory_space<vmem>> -> memref<256x16xf32, #tpu.memory_space<vmem>>
        %dma_wait3A_299 = arith.constant 0 : i32
        %dma_wait3A_300 = arith.constant 0 : i32
        %dma_wait3A_301 = tpu.memref_slice %arg5[%dma_wait3A_299, %dma_wait3A_300] : memref<100096x16xf32, #tpu.memory_space<hbm>> -> memref<256x16xf32, #tpu.memory_space<hbm>>
        tpu.wait_dma2 semaphore(%arg12 : memref<!tpu.dma_semaphore, #tpu.memory_space<semaphore_mem>>) src(%dma_wait3A_301 : memref<256x16xf32, #tpu.memory_space<hbm>>) dst(%dma_wait3A_298 : memref<256x16xf32, #tpu.memory_space<vmem>>)
        %dma_wait3A_302 = arith.constant 512 : i32
        %dma_wait3A_303 = arith.constant 0 : i32
        %dma_wait3A_304 = tpu.memref_slice %arg9[%dma_wait3A_302, %dma_wait3A_303] : memref<1536x16xf32, #tpu.memory_space<vmem>> -> memref<256x16xf32, #tpu.memory_space<vmem>>
        %dma_wait3A_305 = arith.constant 0 : i32
        %dma_wait3A_306 = arith.constant 0 : i32
        %dma_wait3A_307 = tpu.memref_slice %arg5[%dma_wait3A_305, %dma_wait3A_306] : memref<100096x16xf32, #tpu.memory_space<hbm>> -> memref<256x16xf32, #tpu.memory_space<hbm>>
        %dma_wait3A_308 = arith.constant 512 : i32
        %dma_wait3A_309 = arith.constant 0 : i32
        %dma_wait3A_310 = tpu.memref_slice %arg9[%dma_wait3A_308, %dma_wait3A_309] : memref<1536x16xf32, #tpu.memory_space<vmem>> -> memref<256x16xf32, #tpu.memory_space<vmem>>
        %dma_wait3A_311 = arith.constant 0 : i32
        %dma_wait3A_312 = arith.constant 0 : i32
        %dma_wait3A_313 = tpu.memref_slice %arg5[%dma_wait3A_311, %dma_wait3A_312] : memref<100096x16xf32, #tpu.memory_space<hbm>> -> memref<256x16xf32, #tpu.memory_space<hbm>>
        tpu.wait_dma2 semaphore(%arg12 : memref<!tpu.dma_semaphore, #tpu.memory_space<semaphore_mem>>) src(%dma_wait3A_313 : memref<256x16xf32, #tpu.memory_space<hbm>>) dst(%dma_wait3A_310 : memref<256x16xf32, #tpu.memory_space<vmem>>)
      } else {
      }
      %mul3A_100 = arith.constant 3 : i32
      %mul3A_101 = arith.muli %scan3A_96, %mul3A_100 : i32
      %add3A_102 = arith.addi %mul3A_4, %mul3A_101 : i32
      %dma_start3A = arith.constant 0 : i32
      %dma_start3A_103 = arith.constant 0 : i32
      %dma_start3A_104 = tpu.memref_slice %arg8[%and3A_97, %dma_start3A, %dma_start3A_103] : memref<2x3x256xi32, #tpu.memory_space<vmem>> -> memref<1x3x256xi32, #tpu.memory_space<vmem>>
      %dma_start3A_105 = tpu.memref_squeeze %dma_start3A_104 : memref<1x3x256xi32, #tpu.memory_space<vmem>> -> memref<3x256xi32, #tpu.memory_space<vmem>>
      %dma_start3A_106 = arith.constant 0 : i32
      %dma_start3A_107 = tpu.memref_slice %arg4[%add3A_102, %dma_start3A_106] : memref<25059x256xi32, #tpu.memory_space<hbm>> -> memref<3x256xi32, #tpu.memory_space<hbm>>
      %dma_start3A_108 = arith.constant 0 : i32
      %dma_start3A_109 = arith.constant 0 : i32
      %dma_start3A_110 = tpu.memref_slice %arg8[%and3A_97, %dma_start3A_108, %dma_start3A_109] : memref<2x3x256xi32, #tpu.memory_space<vmem>> -> memref<1x3x256xi32, #tpu.memory_space<vmem>>
      %dma_start3A_111 = tpu.memref_squeeze %dma_start3A_110 : memref<1x3x256xi32, #tpu.memory_space<vmem>> -> memref<3x256xi32, #tpu.memory_space<vmem>>
      %dma_start3A_112 = arith.constant 0 : i32
      %dma_start3A_113 = tpu.memref_slice %arg4[%add3A_102, %dma_start3A_112] : memref<25059x256xi32, #tpu.memory_space<hbm>> -> memref<3x256xi32, #tpu.memory_space<hbm>>
      tpu.enqueue_dma source(%dma_start3A_113 : memref<3x256xi32, #tpu.memory_space<hbm>>) target(%dma_start3A_111 : memref<3x256xi32, #tpu.memory_space<vmem>>) target_semaphore(%arg14 : memref<!tpu.dma_semaphore, #tpu.memory_space<semaphore_mem>>)
      %gt3A_114 = arith.constant 0 : i32
      %gt3A_115 = arith.cmpi sgt, %scan3A_96, %gt3A_114 : i32
      %convert_element_type3A_116 = arith.extui %gt3A_115 : i1 to i32
      %cond3A_117 = arith.constant 0 : i32
      %cond3A_118 = arith.cmpi ne, %convert_element_type3A_116, %cond3A_117 : i32
      scf.if %cond3A_118 {
        %dma_wait3A_278 = arith.constant 0 : i32
        %dma_wait3A_279 = arith.constant 0 : i32
        %dma_wait3A_280 = tpu.memref_slice %arg7[%and3A_97, %dma_wait3A_278, %dma_wait3A_279] : memref<2x3x256xi32, #tpu.memory_space<vmem>> -> memref<1x3x256xi32, #tpu.memory_space<vmem>>
        %dma_wait3A_281 = tpu.memref_squeeze %dma_wait3A_280 : memref<1x3x256xi32, #tpu.memory_space<vmem>> -> memref<3x256xi32, #tpu.memory_space<vmem>>
        %dma_wait3A_282 = arith.constant 0 : i32
        %dma_wait3A_283 = tpu.memref_slice %arg3[%mul3A_4, %dma_wait3A_282] : memref<25059x256xi32, #tpu.memory_space<hbm>> -> memref<3x256xi32, #tpu.memory_space<hbm>>
        %dma_wait3A_284 = arith.constant 0 : i32
        %dma_wait3A_285 = arith.constant 0 : i32
        %dma_wait3A_286 = tpu.memref_slice %arg7[%and3A_97, %dma_wait3A_284, %dma_wait3A_285] : memref<2x3x256xi32, #tpu.memory_space<vmem>> -> memref<1x3x256xi32, #tpu.memory_space<vmem>>
        %dma_wait3A_287 = tpu.memref_squeeze %dma_wait3A_286 : memref<1x3x256xi32, #tpu.memory_space<vmem>> -> memref<3x256xi32, #tpu.memory_space<vmem>>
        %dma_wait3A_288 = arith.constant 0 : i32
        %dma_wait3A_289 = tpu.memref_slice %arg3[%mul3A_4, %dma_wait3A_288] : memref<25059x256xi32, #tpu.memory_space<hbm>> -> memref<3x256xi32, #tpu.memory_space<hbm>>
        tpu.wait_dma2 semaphore(%arg13 : memref<!tpu.dma_semaphore, #tpu.memory_space<semaphore_mem>>) src(%dma_wait3A_289 : memref<3x256xi32, #tpu.memory_space<hbm>>) dst(%dma_wait3A_287 : memref<3x256xi32, #tpu.memory_space<vmem>>)
      } else {
      }
      %mul3A_119 = arith.constant 768 : i32
      %mul3A_120 = arith.muli %and3A_97, %mul3A_119 : i32
      %add3A_121 = arith.constant 0 : i32
      %add3A_122 = arith.addi %mul3A_120, %add3A_121 : i32
      %dma_start3A_123 = arith.constant 0 : i32
      %dma_start3A_124 = arith.constant 0 : i32
      %dma_start3A_125 = tpu.memref_slice %arg9[%add3A_122, %dma_start3A_124] : memref<1536x16xf32, #tpu.memory_space<vmem>> -> memref<256x16xf32, #tpu.memory_space<vmem>>
      %dma_start3A_126 = arith.constant 0 : i32
      %dma_start3A_127 = tpu.memref_slice %arg7[%and3A_97, %dma_start3A_123, %dma_start3A_126] : memref<2x3x256xi32, #tpu.memory_space<vmem>> -> memref<1x1x256xi32, #tpu.memory_space<vmem>>
      %dma_start3A_128 = tpu.memref_squeeze %dma_start3A_127 : memref<1x1x256xi32, #tpu.memory_space<vmem>> -> memref<256xi32, #tpu.memory_space<vmem>>
      %dma_start3A_129 = arith.constant 0 : i32
      %dma_start3A_130 = arith.constant 0 : i32
      %dma_start3A_131 = tpu.memref_slice %arg2[%scan3A_5, %dma_start3A_129, %dma_start3A_130] : memref<1x100000x16xf32, #tpu.memory_space<hbm>> -> memref<1x100000x16xf32, #tpu.memory_space<hbm>>
      %dma_start3A_132 = tpu.memref_squeeze %dma_start3A_131 : memref<1x100000x16xf32, #tpu.memory_space<hbm>> -> memref<100000x16xf32, #tpu.memory_space<hbm>>
      %dma_start3A_133 = arith.constant 0 : i32
      %dma_start3A_134 = arith.constant 0 : i32
      %dma_start3A_135 = tpu.memref_slice %dma_start3A_132[%dma_start3A_133, %dma_start3A_134] : memref<100000x16xf32, #tpu.memory_space<hbm>> -> memref<100000x16xf32, #tpu.memory_space<hbm>>
      tpu.enqueue_indirect_dma source(%dma_start3A_135 : memref<100000x16xf32, #tpu.memory_space<hbm>>) target(%dma_start3A_125 : memref<256x16xf32, #tpu.memory_space<vmem>>) offsets(%dma_start3A_128 : memref<256xi32, #tpu.memory_space<vmem>>) semaphore(%arg11 : memref<!tpu.dma_semaphore, #tpu.memory_space<semaphore_mem>>)
      %mul3A_136 = arith.constant 768 : i32
      %mul3A_137 = arith.muli %and3A_97, %mul3A_136 : i32
      %add3A_138 = arith.constant 256 : i32
      %add3A_139 = arith.addi %mul3A_137, %add3A_138 : i32
      %dma_start3A_140 = arith.constant 1 : i32
      %dma_start3A_141 = arith.constant 0 : i32
      %dma_start3A_142 = tpu.memref_slice %arg9[%add3A_139, %dma_start3A_141] : memref<1536x16xf32, #tpu.memory_space<vmem>> -> memref<256x16xf32, #tpu.memory_space<vmem>>
      %dma_start3A_143 = arith.constant 0 : i32
      %dma_start3A_144 = tpu.memref_slice %arg7[%and3A_97, %dma_start3A_140, %dma_start3A_143] : memref<2x3x256xi32, #tpu.memory_space<vmem>> -> memref<1x1x256xi32, #tpu.memory_space<vmem>>
      %dma_start3A_145 = tpu.memref_squeeze %dma_start3A_144 : memref<1x1x256xi32, #tpu.memory_space<vmem>> -> memref<256xi32, #tpu.memory_space<vmem>>
      %dma_start3A_146 = arith.constant 0 : i32
      %dma_start3A_147 = arith.constant 0 : i32
      %dma_start3A_148 = tpu.memref_slice %arg2[%scan3A_5, %dma_start3A_146, %dma_start3A_147] : memref<1x100000x16xf32, #tpu.memory_space<hbm>> -> memref<1x100000x16xf32, #tpu.memory_space<hbm>>
      %dma_start3A_149 = tpu.memref_squeeze %dma_start3A_148 : memref<1x100000x16xf32, #tpu.memory_space<hbm>> -> memref<100000x16xf32, #tpu.memory_space<hbm>>
      %dma_start3A_150 = arith.constant 0 : i32
      %dma_start3A_151 = arith.constant 0 : i32
      %dma_start3A_152 = tpu.memref_slice %dma_start3A_149[%dma_start3A_150, %dma_start3A_151] : memref<100000x16xf32, #tpu.memory_space<hbm>> -> memref<100000x16xf32, #tpu.memory_space<hbm>>
      tpu.enqueue_indirect_dma source(%dma_start3A_152 : memref<100000x16xf32, #tpu.memory_space<hbm>>) target(%dma_start3A_142 : memref<256x16xf32, #tpu.memory_space<vmem>>) offsets(%dma_start3A_145 : memref<256xi32, #tpu.memory_space<vmem>>) semaphore(%arg11 : memref<!tpu.dma_semaphore, #tpu.memory_space<semaphore_mem>>)
      %mul3A_153 = arith.constant 768 : i32
      %mul3A_154 = arith.muli %and3A_97, %mul3A_153 : i32
      %add3A_155 = arith.constant 512 : i32
      %add3A_156 = arith.addi %mul3A_154, %add3A_155 : i32
      %dma_start3A_157 = arith.constant 2 : i32
      %dma_start3A_158 = arith.constant 0 : i32
      %dma_start3A_159 = tpu.memref_slice %arg9[%add3A_156, %dma_start3A_158] : memref<1536x16xf32, #tpu.memory_space<vmem>> -> memref<256x16xf32, #tpu.memory_space<vmem>>
      %dma_start3A_160 = arith.constant 0 : i32
      %dma_start3A_161 = tpu.memref_slice %arg7[%and3A_97, %dma_start3A_157, %dma_start3A_160] : memref<2x3x256xi32, #tpu.memory_space<vmem>> -> memref<1x1x256xi32, #tpu.memory_space<vmem>>
      %dma_start3A_162 = tpu.memref_squeeze %dma_start3A_161 : memref<1x1x256xi32, #tpu.memory_space<vmem>> -> memref<256xi32, #tpu.memory_space<vmem>>
      %dma_start3A_163 = arith.constant 0 : i32
      %dma_start3A_164 = arith.constant 0 : i32
      %dma_start3A_165 = tpu.memref_slice %arg2[%scan3A_5, %dma_start3A_163, %dma_start3A_164] : memref<1x100000x16xf32, #tpu.memory_space<hbm>> -> memref<1x100000x16xf32, #tpu.memory_space<hbm>>
      %dma_start3A_166 = tpu.memref_squeeze %dma_start3A_165 : memref<1x100000x16xf32, #tpu.memory_space<hbm>> -> memref<100000x16xf32, #tpu.memory_space<hbm>>
      %dma_start3A_167 = arith.constant 0 : i32
      %dma_start3A_168 = arith.constant 0 : i32
      %dma_start3A_169 = tpu.memref_slice %dma_start3A_166[%dma_start3A_167, %dma_start3A_168] : memref<100000x16xf32, #tpu.memory_space<hbm>> -> memref<100000x16xf32, #tpu.memory_space<hbm>>
      tpu.enqueue_indirect_dma source(%dma_start3A_169 : memref<100000x16xf32, #tpu.memory_space<hbm>>) target(%dma_start3A_159 : memref<256x16xf32, #tpu.memory_space<vmem>>) offsets(%dma_start3A_162 : memref<256xi32, #tpu.memory_space<vmem>>) semaphore(%arg11 : memref<!tpu.dma_semaphore, #tpu.memory_space<semaphore_mem>>)
      %add3A_170 = arith.constant 1 : i32
      %add3A_171 = arith.addi %scan3A_96, %add3A_170 : i32
      %mul3A_172 = arith.constant 3 : i32
      %mul3A_173 = arith.muli %add3A_171, %mul3A_172 : i32
      %add3A_174 = arith.addi %mul3A_4, %mul3A_173 : i32
      %sub3A = arith.constant 1 : i32
      %sub3A_175 = arith.subi %sub3A, %and3A_97 : i32
      %dma_start3A_176 = arith.constant 0 : i32
      %dma_start3A_177 = arith.constant 0 : i32
      %dma_start3A_178 = tpu.memref_slice %arg7[%sub3A_175, %dma_start3A_176, %dma_start3A_177] : memref<2x3x256xi32, #tpu.memory_space<vmem>> -> memref<1x3x256xi32, #tpu.memory_space<vmem>>
      %dma_start3A_179 = tpu.memref_squeeze %dma_start3A_178 : memref<1x3x256xi32, #tpu.memory_space<vmem>> -> memref<3x256xi32, #tpu.memory_space<vmem>>
      %dma_start3A_180 = arith.constant 0 : i32
      %dma_start3A_181 = tpu.memref_slice %arg3[%add3A_174, %dma_start3A_180] : memref<25059x256xi32, #tpu.memory_space<hbm>> -> memref<3x256xi32, #tpu.memory_space<hbm>>
      %dma_start3A_182 = arith.constant 0 : i32
      %dma_start3A_183 = arith.constant 0 : i32
      %dma_start3A_184 = tpu.memref_slice %arg7[%sub3A_175, %dma_start3A_182, %dma_start3A_183] : memref<2x3x256xi32, #tpu.memory_space<vmem>> -> memref<1x3x256xi32, #tpu.memory_space<vmem>>
      %dma_start3A_185 = tpu.memref_squeeze %dma_start3A_184 : memref<1x3x256xi32, #tpu.memory_space<vmem>> -> memref<3x256xi32, #tpu.memory_space<vmem>>
      %dma_start3A_186 = arith.constant 0 : i32
      %dma_start3A_187 = tpu.memref_slice %arg3[%add3A_174, %dma_start3A_186] : memref<25059x256xi32, #tpu.memory_space<hbm>> -> memref<3x256xi32, #tpu.memory_space<hbm>>
      tpu.enqueue_dma source(%dma_start3A_187 : memref<3x256xi32, #tpu.memory_space<hbm>>) target(%dma_start3A_185 : memref<3x256xi32, #tpu.memory_space<vmem>>) target_semaphore(%arg13 : memref<!tpu.dma_semaphore, #tpu.memory_space<semaphore_mem>>)
      %dma_wait3A_188 = arith.constant 0 : i32
      %dma_wait3A_189 = arith.constant 0 : i32
      %dma_wait3A_190 = tpu.memref_slice %arg9[%add3A_122, %dma_wait3A_189] : memref<1536x16xf32, #tpu.memory_space<vmem>> -> memref<256x16xf32, #tpu.memory_space<vmem>>
      %dma_wait3A_191 = arith.constant 0 : i32
      %dma_wait3A_192 = tpu.memref_slice %arg7[%and3A_97, %dma_wait3A_188, %dma_wait3A_191] : memref<2x3x256xi32, #tpu.memory_space<vmem>> -> memref<1x1x256xi32, #tpu.memory_space<vmem>>
      %dma_wait3A_193 = tpu.memref_squeeze %dma_wait3A_192 : memref<1x1x256xi32, #tpu.memory_space<vmem>> -> memref<256xi32, #tpu.memory_space<vmem>>
      %dma_wait3A_194 = arith.constant 0 : i32
      %dma_wait3A_195 = arith.constant 0 : i32
      %dma_wait3A_196 = tpu.memref_slice %arg2[%scan3A_5, %dma_wait3A_194, %dma_wait3A_195] : memref<1x100000x16xf32, #tpu.memory_space<hbm>> -> memref<1x100000x16xf32, #tpu.memory_space<hbm>>
      %dma_wait3A_197 = tpu.memref_squeeze %dma_wait3A_196 : memref<1x100000x16xf32, #tpu.memory_space<hbm>> -> memref<100000x16xf32, #tpu.memory_space<hbm>>
      %dma_wait3A_198 = arith.constant 0 : i32
      %dma_wait3A_199 = arith.constant 0 : i32
      %dma_wait3A_200 = tpu.memref_slice %dma_wait3A_197[%dma_wait3A_198, %dma_wait3A_199] : memref<100000x16xf32, #tpu.memory_space<hbm>> -> memref<100000x16xf32, #tpu.memory_space<hbm>>
      tpu.wait_indirect_dma semaphore(%arg11 : memref<!tpu.dma_semaphore, #tpu.memory_space<semaphore_mem>>) src(%dma_wait3A_200 : memref<100000x16xf32, #tpu.memory_space<hbm>>) dst(%dma_wait3A_190 : memref<256x16xf32, #tpu.memory_space<vmem>>)
      %dma_wait3A_201 = arith.constant 1 : i32
      %dma_wait3A_202 = arith.constant 0 : i32
      %dma_wait3A_203 = tpu.memref_slice %arg9[%add3A_139, %dma_wait3A_202] : memref<1536x16xf32, #tpu.memory_space<vmem>> -> memref<256x16xf32, #tpu.memory_space<vmem>>
      %dma_wait3A_204 = arith.constant 0 : i32
      %dma_wait3A_205 = tpu.memref_slice %arg7[%and3A_97, %dma_wait3A_201, %dma_wait3A_204] : memref<2x3x256xi32, #tpu.memory_space<vmem>> -> memref<1x1x256xi32, #tpu.memory_space<vmem>>
      %dma_wait3A_206 = tpu.memref_squeeze %dma_wait3A_205 : memref<1x1x256xi32, #tpu.memory_space<vmem>> -> memref<256xi32, #tpu.memory_space<vmem>>
      %dma_wait3A_207 = arith.constant 0 : i32
      %dma_wait3A_208 = arith.constant 0 : i32
      %dma_wait3A_209 = tpu.memref_slice %arg2[%scan3A_5, %dma_wait3A_207, %dma_wait3A_208] : memref<1x100000x16xf32, #tpu.memory_space<hbm>> -> memref<1x100000x16xf32, #tpu.memory_space<hbm>>
      %dma_wait3A_210 = tpu.memref_squeeze %dma_wait3A_209 : memref<1x100000x16xf32, #tpu.memory_space<hbm>> -> memref<100000x16xf32, #tpu.memory_space<hbm>>
      %dma_wait3A_211 = arith.constant 0 : i32
      %dma_wait3A_212 = arith.constant 0 : i32
      %dma_wait3A_213 = tpu.memref_slice %dma_wait3A_210[%dma_wait3A_211, %dma_wait3A_212] : memref<100000x16xf32, #tpu.memory_space<hbm>> -> memref<100000x16xf32, #tpu.memory_space<hbm>>
      tpu.wait_indirect_dma semaphore(%arg11 : memref<!tpu.dma_semaphore, #tpu.memory_space<semaphore_mem>>) src(%dma_wait3A_213 : memref<100000x16xf32, #tpu.memory_space<hbm>>) dst(%dma_wait3A_203 : memref<256x16xf32, #tpu.memory_space<vmem>>)
      %dma_wait3A_214 = arith.constant 2 : i32
      %dma_wait3A_215 = arith.constant 0 : i32
      %dma_wait3A_216 = tpu.memref_slice %arg9[%add3A_156, %dma_wait3A_215] : memref<1536x16xf32, #tpu.memory_space<vmem>> -> memref<256x16xf32, #tpu.memory_space<vmem>>
      %dma_wait3A_217 = arith.constant 0 : i32
      %dma_wait3A_218 = tpu.memref_slice %arg7[%and3A_97, %dma_wait3A_214, %dma_wait3A_217] : memref<2x3x256xi32, #tpu.memory_space<vmem>> -> memref<1x1x256xi32, #tpu.memory_space<vmem>>
      %dma_wait3A_219 = tpu.memref_squeeze %dma_wait3A_218 : memref<1x1x256xi32, #tpu.memory_space<vmem>> -> memref<256xi32, #tpu.memory_space<vmem>>
      %dma_wait3A_220 = arith.constant 0 : i32
      %dma_wait3A_221 = arith.constant 0 : i32
      %dma_wait3A_222 = tpu.memref_slice %arg2[%scan3A_5, %dma_wait3A_220, %dma_wait3A_221] : memref<1x100000x16xf32, #tpu.memory_space<hbm>> -> memref<1x100000x16xf32, #tpu.memory_space<hbm>>
      %dma_wait3A_223 = tpu.memref_squeeze %dma_wait3A_222 : memref<1x100000x16xf32, #tpu.memory_space<hbm>> -> memref<100000x16xf32, #tpu.memory_space<hbm>>
      %dma_wait3A_224 = arith.constant 0 : i32
      %dma_wait3A_225 = arith.constant 0 : i32
      %dma_wait3A_226 = tpu.memref_slice %dma_wait3A_223[%dma_wait3A_224, %dma_wait3A_225] : memref<100000x16xf32, #tpu.memory_space<hbm>> -> memref<100000x16xf32, #tpu.memory_space<hbm>>
      tpu.wait_indirect_dma semaphore(%arg11 : memref<!tpu.dma_semaphore, #tpu.memory_space<semaphore_mem>>) src(%dma_wait3A_226 : memref<100000x16xf32, #tpu.memory_space<hbm>>) dst(%dma_wait3A_216 : memref<256x16xf32, #tpu.memory_space<vmem>>)
      %dma_wait3A_227 = arith.constant 0 : i32
      %dma_wait3A_228 = arith.constant 0 : i32
      %dma_wait3A_229 = tpu.memref_slice %arg8[%and3A_97, %dma_wait3A_227, %dma_wait3A_228] : memref<2x3x256xi32, #tpu.memory_space<vmem>> -> memref<1x3x256xi32, #tpu.memory_space<vmem>>
      %dma_wait3A_230 = tpu.memref_squeeze %dma_wait3A_229 : memref<1x3x256xi32, #tpu.memory_space<vmem>> -> memref<3x256xi32, #tpu.memory_space<vmem>>
      %dma_wait3A_231 = arith.constant 0 : i32
      %dma_wait3A_232 = tpu.memref_slice %arg3[%mul3A_4, %dma_wait3A_231] : memref<25059x256xi32, #tpu.memory_space<hbm>> -> memref<3x256xi32, #tpu.memory_space<hbm>>
      %dma_wait3A_233 = arith.constant 0 : i32
      %dma_wait3A_234 = arith.constant 0 : i32
      %dma_wait3A_235 = tpu.memref_slice %arg8[%and3A_97, %dma_wait3A_233, %dma_wait3A_234] : memref<2x3x256xi32, #tpu.memory_space<vmem>> -> memref<1x3x256xi32, #tpu.memory_space<vmem>>
      %dma_wait3A_236 = tpu.memref_squeeze %dma_wait3A_235 : memref<1x3x256xi32, #tpu.memory_space<vmem>> -> memref<3x256xi32, #tpu.memory_space<vmem>>
      %dma_wait3A_237 = arith.constant 0 : i32
      %dma_wait3A_238 = tpu.memref_slice %arg3[%mul3A_4, %dma_wait3A_237] : memref<25059x256xi32, #tpu.memory_space<hbm>> -> memref<3x256xi32, #tpu.memory_space<hbm>>
      tpu.wait_dma2 semaphore(%arg14 : memref<!tpu.dma_semaphore, #tpu.memory_space<semaphore_mem>>) src(%dma_wait3A_238 : memref<3x256xi32, #tpu.memory_space<hbm>>) dst(%dma_wait3A_236 : memref<3x256xi32, #tpu.memory_space<vmem>>)
      %mul3A_239 = arith.constant 768 : i32
      %mul3A_240 = arith.muli %and3A_97, %mul3A_239 : i32
      %add3A_241 = arith.constant 0 : i32
      %add3A_242 = arith.addi %mul3A_240, %add3A_241 : i32
      %dma_start3A_243 = arith.constant 0 : i32
      %dma_start3A_244 = arith.constant 0 : i32
      %dma_start3A_245 = tpu.memref_slice %arg9[%add3A_242, %dma_start3A_244] : memref<1536x16xf32, #tpu.memory_space<vmem>> -> memref<256x16xf32, #tpu.memory_space<vmem>>
      %dma_start3A_246 = arith.constant 0 : i32
      %dma_start3A_247 = tpu.memref_slice %arg8[%and3A_97, %dma_start3A_243, %dma_start3A_246] : memref<2x3x256xi32, #tpu.memory_space<vmem>> -> memref<1x1x256xi32, #tpu.memory_space<vmem>>
      %dma_start3A_248 = tpu.memref_squeeze %dma_start3A_247 : memref<1x1x256xi32, #tpu.memory_space<vmem>> -> memref<256xi32, #tpu.memory_space<vmem>>
      %dma_start3A_249 = arith.constant 0 : i32
      %dma_start3A_250 = arith.constant 0 : i32
      %dma_start3A_251 = tpu.memref_slice %arg10[%dma_start3A_249, %dma_start3A_250] : memref<100096x16xf32, #tpu.memory_space<vmem_shared>> -> memref<100096x16xf32, #tpu.memory_space<vmem_shared>>
      tpu.enqueue_indirect_dma source(%dma_start3A_245 : memref<256x16xf32, #tpu.memory_space<vmem>>) target(%dma_start3A_251 : memref<100096x16xf32, #tpu.memory_space<vmem_shared>>) offsets(%dma_start3A_248 : memref<256xi32, #tpu.memory_space<vmem>>) semaphore(%arg12 : memref<!tpu.dma_semaphore, #tpu.memory_space<semaphore_mem>>) {add = true}
      %mul3A_252 = arith.constant 768 : i32
      %mul3A_253 = arith.muli %and3A_97, %mul3A_252 : i32
      %add3A_254 = arith.constant 256 : i32
      %add3A_255 = arith.addi %mul3A_253, %add3A_254 : i32
      %dma_start3A_256 = arith.constant 1 : i32
      %dma_start3A_257 = arith.constant 0 : i32
      %dma_start3A_258 = tpu.memref_slice %arg9[%add3A_255, %dma_start3A_257] : memref<1536x16xf32, #tpu.memory_space<vmem>> -> memref<256x16xf32, #tpu.memory_space<vmem>>
      %dma_start3A_259 = arith.constant 0 : i32
      %dma_start3A_260 = tpu.memref_slice %arg8[%and3A_97, %dma_start3A_256, %dma_start3A_259] : memref<2x3x256xi32, #tpu.memory_space<vmem>> -> memref<1x1x256xi32, #tpu.memory_space<vmem>>
      %dma_start3A_261 = tpu.memref_squeeze %dma_start3A_260 : memref<1x1x256xi32, #tpu.memory_space<vmem>> -> memref<256xi32, #tpu.memory_space<vmem>>
      %dma_start3A_262 = arith.constant 0 : i32
      %dma_start3A_263 = arith.constant 0 : i32
      %dma_start3A_264 = tpu.memref_slice %arg10[%dma_start3A_262, %dma_start3A_263] : memref<100096x16xf32, #tpu.memory_space<vmem_shared>> -> memref<100096x16xf32, #tpu.memory_space<vmem_shared>>
      tpu.enqueue_indirect_dma source(%dma_start3A_258 : memref<256x16xf32, #tpu.memory_space<vmem>>) target(%dma_start3A_264 : memref<100096x16xf32, #tpu.memory_space<vmem_shared>>) offsets(%dma_start3A_261 : memref<256xi32, #tpu.memory_space<vmem>>) semaphore(%arg12 : memref<!tpu.dma_semaphore, #tpu.memory_space<semaphore_mem>>) {add = true}
      %mul3A_265 = arith.constant 768 : i32
      %mul3A_266 = arith.muli %and3A_97, %mul3A_265 : i32
      %add3A_267 = arith.constant 512 : i32
      %add3A_268 = arith.addi %mul3A_266, %add3A_267 : i32
      %dma_start3A_269 = arith.constant 2 : i32
      %dma_start3A_270 = arith.constant 0 : i32
      %dma_start3A_271 = tpu.memref_slice %arg9[%add3A_268, %dma_start3A_270] : memref<1536x16xf32, #tpu.memory_space<vmem>> -> memref<256x16xf32, #tpu.memory_space<vmem>>
      %dma_start3A_272 = arith.constant 0 : i32
      %dma_start3A_273 = tpu.memref_slice %arg8[%and3A_97, %dma_start3A_269, %dma_start3A_272] : memref<2x3x256xi32, #tpu.memory_space<vmem>> -> memref<1x1x256xi32, #tpu.memory_space<vmem>>
      %dma_start3A_274 = tpu.memref_squeeze %dma_start3A_273 : memref<1x1x256xi32, #tpu.memory_space<vmem>> -> memref<256xi32, #tpu.memory_space<vmem>>
      %dma_start3A_275 = arith.constant 0 : i32
      %dma_start3A_276 = arith.constant 0 : i32
      %dma_start3A_277 = tpu.memref_slice %arg10[%dma_start3A_275, %dma_start3A_276] : memref<100096x16xf32, #tpu.memory_space<vmem_shared>> -> memref<100096x16xf32, #tpu.memory_space<vmem_shared>>
      tpu.enqueue_indirect_dma source(%dma_start3A_271 : memref<256x16xf32, #tpu.memory_space<vmem>>) target(%dma_start3A_277 : memref<100096x16xf32, #tpu.memory_space<vmem_shared>>) offsets(%dma_start3A_274 : memref<256xi32, #tpu.memory_space<vmem>>) semaphore(%arg12 : memref<!tpu.dma_semaphore, #tpu.memory_space<semaphore_mem>>) {add = true}
    }
    %scan3A_10 = arith.constant 261 : i32
    %dma_wait3A = arith.constant 0 : i32
    %dma_wait3A_11 = arith.constant 0 : i32
    %dma_wait3A_12 = tpu.memref_slice %arg9[%dma_wait3A, %dma_wait3A_11] : memref<1536x16xf32, #tpu.memory_space<vmem>> -> memref<256x16xf32, #tpu.memory_space<vmem>>
    %dma_wait3A_13 = arith.constant 0 : i32
    %dma_wait3A_14 = arith.constant 0 : i32
    %dma_wait3A_15 = tpu.memref_slice %arg5[%dma_wait3A_13, %dma_wait3A_14] : memref<100096x16xf32, #tpu.memory_space<hbm>> -> memref<256x16xf32, #tpu.memory_space<hbm>>
    %dma_wait3A_16 = arith.constant 0 : i32
    %dma_wait3A_17 = arith.constant 0 : i32
    %dma_wait3A_18 = tpu.memref_slice %arg9[%dma_wait3A_16, %dma_wait3A_17] : memref<1536x16xf32, #tpu.memory_space<vmem>> -> memref<256x16xf32, #tpu.memory_space<vmem>>
    %dma_wait3A_19 = arith.constant 0 : i32
    %dma_wait3A_20 = arith.constant 0 : i32
    %dma_wait3A_21 = tpu.memref_slice %arg5[%dma_wait3A_19, %dma_wait3A_20] : memref<100096x16xf32, #tpu.memory_space<hbm>> -> memref<256x16xf32, #tpu.memory_space<hbm>>
    tpu.wait_dma2 semaphore(%arg12 : memref<!tpu.dma_semaphore, #tpu.memory_space<semaphore_mem>>) src(%dma_wait3A_21 : memref<256x16xf32, #tpu.memory_space<hbm>>) dst(%dma_wait3A_18 : memref<256x16xf32, #tpu.memory_space<vmem>>)
    %dma_wait3A_22 = arith.constant 256 : i32
    %dma_wait3A_23 = arith.constant 0 : i32
    %dma_wait3A_24 = tpu.memref_slice %arg9[%dma_wait3A_22, %dma_wait3A_23] : memref<1536x16xf32, #tpu.memory_space<vmem>> -> memref<256x16xf32, #tpu.memory_space<vmem>>
    %dma_wait3A_25 = arith.constant 0 : i32
    %dma_wait3A_26 = arith.constant 0 : i32
    %dma_wait3A_27 = tpu.memref_slice %arg5[%dma_wait3A_25, %dma_wait3A_26] : memref<100096x16xf32, #tpu.memory_space<hbm>> -> memref<256x16xf32, #tpu.memory_space<hbm>>
    %dma_wait3A_28 = arith.constant 256 : i32
    %dma_wait3A_29 = arith.constant 0 : i32
    %dma_wait3A_30 = tpu.memref_slice %arg9[%dma_wait3A_28, %dma_wait3A_29] : memref<1536x16xf32, #tpu.memory_space<vmem>> -> memref<256x16xf32, #tpu.memory_space<vmem>>
    %dma_wait3A_31 = arith.constant 0 : i32
    %dma_wait3A_32 = arith.constant 0 : i32
    %dma_wait3A_33 = tpu.memref_slice %arg5[%dma_wait3A_31, %dma_wait3A_32] : memref<100096x16xf32, #tpu.memory_space<hbm>> -> memref<256x16xf32, #tpu.memory_space<hbm>>
    tpu.wait_dma2 semaphore(%arg12 : memref<!tpu.dma_semaphore, #tpu.memory_space<semaphore_mem>>) src(%dma_wait3A_33 : memref<256x16xf32, #tpu.memory_space<hbm>>) dst(%dma_wait3A_30 : memref<256x16xf32, #tpu.memory_space<vmem>>)
    %dma_wait3A_34 = arith.constant 512 : i32
    %dma_wait3A_35 = arith.constant 0 : i32
    %dma_wait3A_36 = tpu.memref_slice %arg9[%dma_wait3A_34, %dma_wait3A_35] : memref<1536x16xf32, #tpu.memory_space<vmem>> -> memref<256x16xf32, #tpu.memory_space<vmem>>
    %dma_wait3A_37 = arith.constant 0 : i32
    %dma_wait3A_38 = arith.constant 0 : i32
    %dma_wait3A_39 = tpu.memref_slice %arg5[%dma_wait3A_37, %dma_wait3A_38] : memref<100096x16xf32, #tpu.memory_space<hbm>> -> memref<256x16xf32, #tpu.memory_space<hbm>>
    %dma_wait3A_40 = arith.constant 512 : i32
    %dma_wait3A_41 = arith.constant 0 : i32
    %dma_wait3A_42 = tpu.memref_slice %arg9[%dma_wait3A_40, %dma_wait3A_41] : memref<1536x16xf32, #tpu.memory_space<vmem>> -> memref<256x16xf32, #tpu.memory_space<vmem>>
    %dma_wait3A_43 = arith.constant 0 : i32
    %dma_wait3A_44 = arith.constant 0 : i32
    %dma_wait3A_45 = tpu.memref_slice %arg5[%dma_wait3A_43, %dma_wait3A_44] : memref<100096x16xf32, #tpu.memory_space<hbm>> -> memref<256x16xf32, #tpu.memory_space<hbm>>
    tpu.wait_dma2 semaphore(%arg12 : memref<!tpu.dma_semaphore, #tpu.memory_space<semaphore_mem>>) src(%dma_wait3A_45 : memref<256x16xf32, #tpu.memory_space<hbm>>) dst(%dma_wait3A_42 : memref<256x16xf32, #tpu.memory_space<vmem>>)
    %dma_wait3A_46 = arith.constant 0 : i32
    %dma_wait3A_47 = arith.constant 0 : i32
    %dma_wait3A_48 = tpu.memref_slice %arg9[%dma_wait3A_46, %dma_wait3A_47] : memref<1536x16xf32, #tpu.memory_space<vmem>> -> memref<256x16xf32, #tpu.memory_space<vmem>>
    %dma_wait3A_49 = arith.constant 0 : i32
    %dma_wait3A_50 = arith.constant 0 : i32
    %dma_wait3A_51 = tpu.memref_slice %arg5[%dma_wait3A_49, %dma_wait3A_50] : memref<100096x16xf32, #tpu.memory_space<hbm>> -> memref<256x16xf32, #tpu.memory_space<hbm>>
    %dma_wait3A_52 = arith.constant 0 : i32
    %dma_wait3A_53 = arith.constant 0 : i32
    %dma_wait3A_54 = tpu.memref_slice %arg9[%dma_wait3A_52, %dma_wait3A_53] : memref<1536x16xf32, #tpu.memory_space<vmem>> -> memref<256x16xf32, #tpu.memory_space<vmem>>
    %dma_wait3A_55 = arith.constant 0 : i32
    %dma_wait3A_56 = arith.constant 0 : i32
    %dma_wait3A_57 = tpu.memref_slice %arg5[%dma_wait3A_55, %dma_wait3A_56] : memref<100096x16xf32, #tpu.memory_space<hbm>> -> memref<256x16xf32, #tpu.memory_space<hbm>>
    tpu.wait_dma2 semaphore(%arg12 : memref<!tpu.dma_semaphore, #tpu.memory_space<semaphore_mem>>) src(%dma_wait3A_57 : memref<256x16xf32, #tpu.memory_space<hbm>>) dst(%dma_wait3A_54 : memref<256x16xf32, #tpu.memory_space<vmem>>)
    %dma_wait3A_58 = arith.constant 256 : i32
    %dma_wait3A_59 = arith.constant 0 : i32
    %dma_wait3A_60 = tpu.memref_slice %arg9[%dma_wait3A_58, %dma_wait3A_59] : memref<1536x16xf32, #tpu.memory_space<vmem>> -> memref<256x16xf32, #tpu.memory_space<vmem>>
    %dma_wait3A_61 = arith.constant 0 : i32
    %dma_wait3A_62 = arith.constant 0 : i32
    %dma_wait3A_63 = tpu.memref_slice %arg5[%dma_wait3A_61, %dma_wait3A_62] : memref<100096x16xf32, #tpu.memory_space<hbm>> -> memref<256x16xf32, #tpu.memory_space<hbm>>
    %dma_wait3A_64 = arith.constant 256 : i32
    %dma_wait3A_65 = arith.constant 0 : i32
    %dma_wait3A_66 = tpu.memref_slice %arg9[%dma_wait3A_64, %dma_wait3A_65] : memref<1536x16xf32, #tpu.memory_space<vmem>> -> memref<256x16xf32, #tpu.memory_space<vmem>>
    %dma_wait3A_67 = arith.constant 0 : i32
    %dma_wait3A_68 = arith.constant 0 : i32
    %dma_wait3A_69 = tpu.memref_slice %arg5[%dma_wait3A_67, %dma_wait3A_68] : memref<100096x16xf32, #tpu.memory_space<hbm>> -> memref<256x16xf32, #tpu.memory_space<hbm>>
    tpu.wait_dma2 semaphore(%arg12 : memref<!tpu.dma_semaphore, #tpu.memory_space<semaphore_mem>>) src(%dma_wait3A_69 : memref<256x16xf32, #tpu.memory_space<hbm>>) dst(%dma_wait3A_66 : memref<256x16xf32, #tpu.memory_space<vmem>>)
    %dma_wait3A_70 = arith.constant 512 : i32
    %dma_wait3A_71 = arith.constant 0 : i32
    %dma_wait3A_72 = tpu.memref_slice %arg9[%dma_wait3A_70, %dma_wait3A_71] : memref<1536x16xf32, #tpu.memory_space<vmem>> -> memref<256x16xf32, #tpu.memory_space<vmem>>
    %dma_wait3A_73 = arith.constant 0 : i32
    %dma_wait3A_74 = arith.constant 0 : i32
    %dma_wait3A_75 = tpu.memref_slice %arg5[%dma_wait3A_73, %dma_wait3A_74] : memref<100096x16xf32, #tpu.memory_space<hbm>> -> memref<256x16xf32, #tpu.memory_space<hbm>>
    %dma_wait3A_76 = arith.constant 512 : i32
    %dma_wait3A_77 = arith.constant 0 : i32
    %dma_wait3A_78 = tpu.memref_slice %arg9[%dma_wait3A_76, %dma_wait3A_77] : memref<1536x16xf32, #tpu.memory_space<vmem>> -> memref<256x16xf32, #tpu.memory_space<vmem>>
    %dma_wait3A_79 = arith.constant 0 : i32
    %dma_wait3A_80 = arith.constant 0 : i32
    %dma_wait3A_81 = tpu.memref_slice %arg5[%dma_wait3A_79, %dma_wait3A_80] : memref<100096x16xf32, #tpu.memory_space<hbm>> -> memref<256x16xf32, #tpu.memory_space<hbm>>
    tpu.wait_dma2 semaphore(%arg12 : memref<!tpu.dma_semaphore, #tpu.memory_space<semaphore_mem>>) src(%dma_wait3A_81 : memref<256x16xf32, #tpu.memory_space<hbm>>) dst(%dma_wait3A_78 : memref<256x16xf32, #tpu.memory_space<vmem>>)
    %dma_wait3A_82 = arith.constant 0 : i32
    %dma_wait3A_83 = arith.constant 0 : i32
    %dma_wait3A_84 = arith.constant 0 : i32
    %dma_wait3A_85 = tpu.memref_slice %arg7[%dma_wait3A_82, %dma_wait3A_83, %dma_wait3A_84] : memref<2x3x256xi32, #tpu.memory_space<vmem>> -> memref<1x3x256xi32, #tpu.memory_space<vmem>>
    %dma_wait3A_86 = tpu.memref_squeeze %dma_wait3A_85 : memref<1x3x256xi32, #tpu.memory_space<vmem>> -> memref<3x256xi32, #tpu.memory_space<vmem>>
    %dma_wait3A_87 = arith.constant 0 : i32
    %dma_wait3A_88 = tpu.memref_slice %arg3[%mul3A_4, %dma_wait3A_87] : memref<25059x256xi32, #tpu.memory_space<hbm>> -> memref<3x256xi32, #tpu.memory_space<hbm>>
    %dma_wait3A_89 = arith.constant 0 : i32
    %dma_wait3A_90 = arith.constant 0 : i32
    %dma_wait3A_91 = tpu.memref_slice %arg7[%dma_wait3A_82, %dma_wait3A_89, %dma_wait3A_90] : memref<2x3x256xi32, #tpu.memory_space<vmem>> -> memref<1x3x256xi32, #tpu.memory_space<vmem>>
    %dma_wait3A_92 = tpu.memref_squeeze %dma_wait3A_91 : memref<1x3x256xi32, #tpu.memory_space<vmem>> -> memref<3x256xi32, #tpu.memory_space<vmem>>
    %dma_wait3A_93 = arith.constant 0 : i32
    %dma_wait3A_94 = tpu.memref_slice %arg3[%mul3A_4, %dma_wait3A_93] : memref<25059x256xi32, #tpu.memory_space<hbm>> -> memref<3x256xi32, #tpu.memory_space<hbm>>
    tpu.wait_dma2 semaphore(%arg13 : memref<!tpu.dma_semaphore, #tpu.memory_space<semaphore_mem>>) src(%dma_wait3A_94 : memref<3x256xi32, #tpu.memory_space<hbm>>) dst(%dma_wait3A_92 : memref<3x256xi32, #tpu.memory_space<vmem>>)
    %barrier3A_95 = arith.constant 0 : index
    tpu.barrier barrier_id(%barrier3A_95)
    "tpu.region"() ({
      %run_scoped3A_96 = tpu.sem_alloc : memref<!tpu.dma_semaphore, #tpu.memory_space<semaphore_mem>>
      %dma_start3A = arith.constant 0 : i32
      %dma_start3A_97 = tpu.memref_slice %arg6[%arg0, %mul3A_0, %dma_start3A] : memref<2x100096x16xf32, #tpu.memory_space<hbm>> -> memref<1x6256x16xf32, #tpu.memory_space<hbm>>
      %dma_start3A_98 = tpu.memref_squeeze %dma_start3A_97 : memref<1x6256x16xf32, #tpu.memory_space<hbm>> -> memref<6256x16xf32, #tpu.memory_space<hbm>>
      %dma_start3A_99 = arith.constant 0 : i32
      %dma_start3A_100 = tpu.memref_slice %arg10[%mul3A_0, %dma_start3A_99] : memref<100096x16xf32, #tpu.memory_space<vmem_shared>> -> memref<6256x16xf32, #tpu.memory_space<vmem_shared>>
      tpu.enqueue_dma source(%dma_start3A_100 : memref<6256x16xf32, #tpu.memory_space<vmem_shared>>) target(%dma_start3A_98 : memref<6256x16xf32, #tpu.memory_space<hbm>>) target_semaphore(%run_scoped3A_96 : memref<!tpu.dma_semaphore, #tpu.memory_space<semaphore_mem>>)
      %dma_wait3A_101 = arith.constant 0 : i32
      %dma_wait3A_102 = tpu.memref_slice %arg6[%arg0, %mul3A_0, %dma_wait3A_101] : memref<2x100096x16xf32, #tpu.memory_space<hbm>> -> memref<1x6256x16xf32, #tpu.memory_space<hbm>>
      %dma_wait3A_103 = tpu.memref_squeeze %dma_wait3A_102 : memref<1x6256x16xf32, #tpu.memory_space<hbm>> -> memref<6256x16xf32, #tpu.memory_space<hbm>>
      %dma_wait3A_104 = arith.constant 0 : i32
      %dma_wait3A_105 = tpu.memref_slice %arg10[%mul3A_0, %dma_wait3A_104] : memref<100096x16xf32, #tpu.memory_space<vmem_shared>> -> memref<6256x16xf32, #tpu.memory_space<vmem_shared>>
      tpu.wait_dma2 semaphore(%run_scoped3A_96 : memref<!tpu.dma_semaphore, #tpu.memory_space<semaphore_mem>>) src(%dma_wait3A_105 : memref<6256x16xf32, #tpu.memory_space<vmem_shared>>) dst(%dma_wait3A_103 : memref<6256x16xf32, #tpu.memory_space<hbm>>)
      tpu.yield
    }) : () -> ()
    return
  }
}

#map = affine_map<(d0, d1) -> (0, 0, 0)>
#map1 = affine_map<(d0, d1) -> (0, 0)>
module attributes {stable_mosaic.version = 14 : i64} {
  func.func @k(%arg0: i32, %arg1: i32, %arg2: memref<2x100000x16xf32, #tpu.memory_space<hbm>>, %arg3: memref<25059x256xi32, #tpu.memory_space<hbm>>, %arg4: memref<25059x256xi32, #tpu.memory_space<hbm>>, %arg5: memref<100096x16xf32, #tpu.memory_space<hbm>>, %arg6: memref<2x100096x16xf32, #tpu.memory_space<hbm>>, %arg7: memref<2x3x256xi32, #tpu.memory_space<vmem>>, %arg8: memref<2x3x256xi32, #tpu.memory_space<vmem>>, %arg9: memref<1536x16xf32, #tpu.memory_space<vmem>>, %arg10: memref<100096x16xf32, #tpu.memory_space<vmem_shared>>, %arg11: memref<!tpu.dma_semaphore, #tpu.memory_space<semaphore_mem>>, %arg12: memref<!tpu.dma_semaphore, #tpu.memory_space<semaphore_mem>>, %arg13: memref<!tpu.dma_semaphore, #tpu.memory_space<semaphore_mem>>, %arg14: memref<!tpu.dma_semaphore, #tpu.memory_space<semaphore_mem>>) attributes {dimension_semantics = [#tpu.dimension_semantics<core_parallel>, #tpu.dimension_semantics<subcore_parallel>], iteration_bounds = array<i64: 2, 16>, scalar_prefetch = 0 : i64, scratch_operands = 8 : i64, tpu.core_type = #tpu.core_type<sc_vector_subcore>, window_params = [{transform_indices = #map}, {transform_indices = #map1}, {transform_indices = #map1}, {transform_indices = #map1}, {transform_indices = #map}]} {
    %mul3A = arith.constant 6256 : i32
    %mul3A_0 = arith.muli %arg1, %mul3A : i32
    "tpu.region"() ({
      %run_scoped3A_93 = tpu.sem_alloc : memref<!tpu.dma_semaphore, #tpu.memory_space<semaphore_mem>>
      %dma_start3A = arith.constant 0 : i32
      %dma_start3A_94 = tpu.memref_slice %arg10[%mul3A_0, %dma_start3A] : memref<100096x16xf32, #tpu.memory_space<vmem_shared>> -> memref<6256x16xf32, #tpu.memory_space<vmem_shared>>
      %dma_start3A_95 = arith.constant 0 : i32
      %dma_start3A_96 = tpu.memref_slice %arg5[%mul3A_0, %dma_start3A_95] : memref<100096x16xf32, #tpu.memory_space<hbm>> -> memref<6256x16xf32, #tpu.memory_space<hbm>>
      tpu.enqueue_dma source(%dma_start3A_96 : memref<6256x16xf32, #tpu.memory_space<hbm>>) target(%dma_start3A_94 : memref<6256x16xf32, #tpu.memory_space<vmem_shared>>) target_semaphore(%run_scoped3A_93 : memref<!tpu.dma_semaphore, #tpu.memory_space<semaphore_mem>>)
      %dma_wait3A_97 = arith.constant 0 : i32
      %dma_wait3A_98 = tpu.memref_slice %arg10[%mul3A_0, %dma_wait3A_97] : memref<100096x16xf32, #tpu.memory_space<vmem_shared>> -> memref<6256x16xf32, #tpu.memory_space<vmem_shared>>
      %dma_wait3A_99 = arith.constant 0 : i32
      %dma_wait3A_100 = tpu.memref_slice %arg5[%mul3A_0, %dma_wait3A_99] : memref<100096x16xf32, #tpu.memory_space<hbm>> -> memref<6256x16xf32, #tpu.memory_space<hbm>>
      tpu.wait_dma2 semaphore(%run_scoped3A_93 : memref<!tpu.dma_semaphore, #tpu.memory_space<semaphore_mem>>) src(%dma_wait3A_100 : memref<6256x16xf32, #tpu.memory_space<hbm>>) dst(%dma_wait3A_98 : memref<6256x16xf32, #tpu.memory_space<vmem_shared>>)
      tpu.yield
    }) : () -> ()
    %barrier3A = arith.constant 0 : index
    tpu.barrier barrier_id(%barrier3A)
    %mul3A_1 = arith.constant 1566 : i32
    %mul3A_2 = arith.muli %arg1, %mul3A_1 : i32
    %run_scoped3A = arith.constant 0 : i32
    "tpu.region"() ({
      %run_scoped3A_93 = tpu.sem_alloc : memref<!tpu.dma_semaphore, #tpu.memory_space<semaphore_mem>>
      %dma_start3A = arith.constant 0 : i32
      %dma_start3A_94 = arith.constant 0 : i32
      %dma_start3A_95 = tpu.memref_slice %arg7[%run_scoped3A, %dma_start3A, %dma_start3A_94] : memref<2x3x256xi32, #tpu.memory_space<vmem>> -> memref<1x3x256xi32, #tpu.memory_space<vmem>>
      %dma_start3A_96 = tpu.memref_squeeze %dma_start3A_95 : memref<1x3x256xi32, #tpu.memory_space<vmem>> -> memref<3x256xi32, #tpu.memory_space<vmem>>
      %dma_start3A_97 = arith.constant 0 : i32
      %dma_start3A_98 = tpu.memref_slice %arg3[%mul3A_2, %dma_start3A_97] : memref<25059x256xi32, #tpu.memory_space<hbm>> -> memref<3x256xi32, #tpu.memory_space<hbm>>
      %dma_start3A_99 = arith.constant 0 : i32
      %dma_start3A_100 = arith.constant 0 : i32
      %dma_start3A_101 = tpu.memref_slice %arg7[%run_scoped3A, %dma_start3A_99, %dma_start3A_100] : memref<2x3x256xi32, #tpu.memory_space<vmem>> -> memref<1x3x256xi32, #tpu.memory_space<vmem>>
      %dma_start3A_102 = tpu.memref_squeeze %dma_start3A_101 : memref<1x3x256xi32, #tpu.memory_space<vmem>> -> memref<3x256xi32, #tpu.memory_space<vmem>>
      %dma_start3A_103 = arith.constant 0 : i32
      %dma_start3A_104 = tpu.memref_slice %arg3[%mul3A_2, %dma_start3A_103] : memref<25059x256xi32, #tpu.memory_space<hbm>> -> memref<3x256xi32, #tpu.memory_space<hbm>>
      tpu.enqueue_dma source(%dma_start3A_104 : memref<3x256xi32, #tpu.memory_space<hbm>>) target(%dma_start3A_102 : memref<3x256xi32, #tpu.memory_space<vmem>>) target_semaphore(%run_scoped3A_93 : memref<!tpu.dma_semaphore, #tpu.memory_space<semaphore_mem>>)
      %dma_wait3A_105 = arith.constant 0 : i32
      %dma_wait3A_106 = arith.constant 0 : i32
      %dma_wait3A_107 = tpu.memref_slice %arg7[%run_scoped3A, %dma_wait3A_105, %dma_wait3A_106] : memref<2x3x256xi32, #tpu.memory_space<vmem>> -> memref<1x3x256xi32, #tpu.memory_space<vmem>>
      %dma_wait3A_108 = tpu.memref_squeeze %dma_wait3A_107 : memref<1x3x256xi32, #tpu.memory_space<vmem>> -> memref<3x256xi32, #tpu.memory_space<vmem>>
      %dma_wait3A_109 = arith.constant 0 : i32
      %dma_wait3A_110 = tpu.memref_slice %arg3[%mul3A_2, %dma_wait3A_109] : memref<25059x256xi32, #tpu.memory_space<hbm>> -> memref<3x256xi32, #tpu.memory_space<hbm>>
      %dma_wait3A_111 = arith.constant 0 : i32
      %dma_wait3A_112 = arith.constant 0 : i32
      %dma_wait3A_113 = tpu.memref_slice %arg7[%run_scoped3A, %dma_wait3A_111, %dma_wait3A_112] : memref<2x3x256xi32, #tpu.memory_space<vmem>> -> memref<1x3x256xi32, #tpu.memory_space<vmem>>
      %dma_wait3A_114 = tpu.memref_squeeze %dma_wait3A_113 : memref<1x3x256xi32, #tpu.memory_space<vmem>> -> memref<3x256xi32, #tpu.memory_space<vmem>>
      %dma_wait3A_115 = arith.constant 0 : i32
      %dma_wait3A_116 = tpu.memref_slice %arg3[%mul3A_2, %dma_wait3A_115] : memref<25059x256xi32, #tpu.memory_space<hbm>> -> memref<3x256xi32, #tpu.memory_space<hbm>>
      tpu.wait_dma2 semaphore(%run_scoped3A_93 : memref<!tpu.dma_semaphore, #tpu.memory_space<semaphore_mem>>) src(%dma_wait3A_116 : memref<3x256xi32, #tpu.memory_space<hbm>>) dst(%dma_wait3A_114 : memref<3x256xi32, #tpu.memory_space<vmem>>)
      tpu.yield
    }) : () -> ()
    %scan3A = arith.constant 0 : i32
    %scan3A_3 = arith.constant 0 : i32
    %scan3A_4 = arith.constant 522 : i32
    %scan3A_5 = arith.addi %scan3A_3, %scan3A_4 : i32
    %scan3A_6 = arith.constant 1 : i32
    scf.for %scan3A_93 = %scan3A_3 to %scan3A_5 step %scan3A_6  : i32 {
      %and3A = arith.constant 1 : i32
      %and3A_94 = arith.andi %scan3A_93, %and3A : i32
      %gt3A = arith.constant 1 : i32
      %gt3A_95 = arith.cmpi sgt, %scan3A_93, %gt3A : i32
      %convert_element_type3A = arith.extui %gt3A_95 : i1 to i32
      %cond3A = arith.constant 0 : i32
      %cond3A_96 = arith.cmpi ne, %convert_element_type3A, %cond3A : i32
      scf.if %cond3A_96 {
        %dma_wait3A_274 = arith.constant 0 : i32
        %dma_wait3A_275 = arith.constant 0 : i32
        %dma_wait3A_276 = tpu.memref_slice %arg9[%dma_wait3A_274, %dma_wait3A_275] : memref<1536x16xf32, #tpu.memory_space<vmem>> -> memref<256x16xf32, #tpu.memory_space<vmem>>
        %dma_wait3A_277 = arith.constant 0 : i32
        %dma_wait3A_278 = arith.constant 0 : i32
        %dma_wait3A_279 = tpu.memref_slice %arg5[%dma_wait3A_277, %dma_wait3A_278] : memref<100096x16xf32, #tpu.memory_space<hbm>> -> memref<256x16xf32, #tpu.memory_space<hbm>>
        %dma_wait3A_280 = arith.constant 0 : i32
        %dma_wait3A_281 = arith.constant 0 : i32
        %dma_wait3A_282 = tpu.memref_slice %arg9[%dma_wait3A_280, %dma_wait3A_281] : memref<1536x16xf32, #tpu.memory_space<vmem>> -> memref<256x16xf32, #tpu.memory_space<vmem>>
        %dma_wait3A_283 = arith.constant 0 : i32
        %dma_wait3A_284 = arith.constant 0 : i32
        %dma_wait3A_285 = tpu.memref_slice %arg5[%dma_wait3A_283, %dma_wait3A_284] : memref<100096x16xf32, #tpu.memory_space<hbm>> -> memref<256x16xf32, #tpu.memory_space<hbm>>
        tpu.wait_dma2 semaphore(%arg12 : memref<!tpu.dma_semaphore, #tpu.memory_space<semaphore_mem>>) src(%dma_wait3A_285 : memref<256x16xf32, #tpu.memory_space<hbm>>) dst(%dma_wait3A_282 : memref<256x16xf32, #tpu.memory_space<vmem>>)
        %dma_wait3A_286 = arith.constant 256 : i32
        %dma_wait3A_287 = arith.constant 0 : i32
        %dma_wait3A_288 = tpu.memref_slice %arg9[%dma_wait3A_286, %dma_wait3A_287] : memref<1536x16xf32, #tpu.memory_space<vmem>> -> memref<256x16xf32, #tpu.memory_space<vmem>>
        %dma_wait3A_289 = arith.constant 0 : i32
        %dma_wait3A_290 = arith.constant 0 : i32
        %dma_wait3A_291 = tpu.memref_slice %arg5[%dma_wait3A_289, %dma_wait3A_290] : memref<100096x16xf32, #tpu.memory_space<hbm>> -> memref<256x16xf32, #tpu.memory_space<hbm>>
        %dma_wait3A_292 = arith.constant 256 : i32
        %dma_wait3A_293 = arith.constant 0 : i32
        %dma_wait3A_294 = tpu.memref_slice %arg9[%dma_wait3A_292, %dma_wait3A_293] : memref<1536x16xf32, #tpu.memory_space<vmem>> -> memref<256x16xf32, #tpu.memory_space<vmem>>
        %dma_wait3A_295 = arith.constant 0 : i32
        %dma_wait3A_296 = arith.constant 0 : i32
        %dma_wait3A_297 = tpu.memref_slice %arg5[%dma_wait3A_295, %dma_wait3A_296] : memref<100096x16xf32, #tpu.memory_space<hbm>> -> memref<256x16xf32, #tpu.memory_space<hbm>>
        tpu.wait_dma2 semaphore(%arg12 : memref<!tpu.dma_semaphore, #tpu.memory_space<semaphore_mem>>) src(%dma_wait3A_297 : memref<256x16xf32, #tpu.memory_space<hbm>>) dst(%dma_wait3A_294 : memref<256x16xf32, #tpu.memory_space<vmem>>)
        %dma_wait3A_298 = arith.constant 512 : i32
        %dma_wait3A_299 = arith.constant 0 : i32
        %dma_wait3A_300 = tpu.memref_slice %arg9[%dma_wait3A_298, %dma_wait3A_299] : memref<1536x16xf32, #tpu.memory_space<vmem>> -> memref<256x16xf32, #tpu.memory_space<vmem>>
        %dma_wait3A_301 = arith.constant 0 : i32
        %dma_wait3A_302 = arith.constant 0 : i32
        %dma_wait3A_303 = tpu.memref_slice %arg5[%dma_wait3A_301, %dma_wait3A_302] : memref<100096x16xf32, #tpu.memory_space<hbm>> -> memref<256x16xf32, #tpu.memory_space<hbm>>
        %dma_wait3A_304 = arith.constant 512 : i32
        %dma_wait3A_305 = arith.constant 0 : i32
        %dma_wait3A_306 = tpu.memref_slice %arg9[%dma_wait3A_304, %dma_wait3A_305] : memref<1536x16xf32, #tpu.memory_space<vmem>> -> memref<256x16xf32, #tpu.memory_space<vmem>>
        %dma_wait3A_307 = arith.constant 0 : i32
        %dma_wait3A_308 = arith.constant 0 : i32
        %dma_wait3A_309 = tpu.memref_slice %arg5[%dma_wait3A_307, %dma_wait3A_308] : memref<100096x16xf32, #tpu.memory_space<hbm>> -> memref<256x16xf32, #tpu.memory_space<hbm>>
        tpu.wait_dma2 semaphore(%arg12 : memref<!tpu.dma_semaphore, #tpu.memory_space<semaphore_mem>>) src(%dma_wait3A_309 : memref<256x16xf32, #tpu.memory_space<hbm>>) dst(%dma_wait3A_306 : memref<256x16xf32, #tpu.memory_space<vmem>>)
      } else {
      }
      %mul3A_97 = arith.constant 3 : i32
      %mul3A_98 = arith.muli %scan3A_93, %mul3A_97 : i32
      %add3A = arith.addi %mul3A_2, %mul3A_98 : i32
      %dma_start3A = arith.constant 0 : i32
      %dma_start3A_99 = arith.constant 0 : i32
      %dma_start3A_100 = tpu.memref_slice %arg8[%and3A_94, %dma_start3A, %dma_start3A_99] : memref<2x3x256xi32, #tpu.memory_space<vmem>> -> memref<1x3x256xi32, #tpu.memory_space<vmem>>
      %dma_start3A_101 = tpu.memref_squeeze %dma_start3A_100 : memref<1x3x256xi32, #tpu.memory_space<vmem>> -> memref<3x256xi32, #tpu.memory_space<vmem>>
      %dma_start3A_102 = arith.constant 0 : i32
      %dma_start3A_103 = tpu.memref_slice %arg4[%add3A, %dma_start3A_102] : memref<25059x256xi32, #tpu.memory_space<hbm>> -> memref<3x256xi32, #tpu.memory_space<hbm>>
      %dma_start3A_104 = arith.constant 0 : i32
      %dma_start3A_105 = arith.constant 0 : i32
      %dma_start3A_106 = tpu.memref_slice %arg8[%and3A_94, %dma_start3A_104, %dma_start3A_105] : memref<2x3x256xi32, #tpu.memory_space<vmem>> -> memref<1x3x256xi32, #tpu.memory_space<vmem>>
      %dma_start3A_107 = tpu.memref_squeeze %dma_start3A_106 : memref<1x3x256xi32, #tpu.memory_space<vmem>> -> memref<3x256xi32, #tpu.memory_space<vmem>>
      %dma_start3A_108 = arith.constant 0 : i32
      %dma_start3A_109 = tpu.memref_slice %arg4[%add3A, %dma_start3A_108] : memref<25059x256xi32, #tpu.memory_space<hbm>> -> memref<3x256xi32, #tpu.memory_space<hbm>>
      tpu.enqueue_dma source(%dma_start3A_109 : memref<3x256xi32, #tpu.memory_space<hbm>>) target(%dma_start3A_107 : memref<3x256xi32, #tpu.memory_space<vmem>>) target_semaphore(%arg14 : memref<!tpu.dma_semaphore, #tpu.memory_space<semaphore_mem>>)
      %gt3A_110 = arith.constant 0 : i32
      %gt3A_111 = arith.cmpi sgt, %scan3A_93, %gt3A_110 : i32
      %convert_element_type3A_112 = arith.extui %gt3A_111 : i1 to i32
      %cond3A_113 = arith.constant 0 : i32
      %cond3A_114 = arith.cmpi ne, %convert_element_type3A_112, %cond3A_113 : i32
      scf.if %cond3A_114 {
        %dma_wait3A_274 = arith.constant 0 : i32
        %dma_wait3A_275 = arith.constant 0 : i32
        %dma_wait3A_276 = tpu.memref_slice %arg7[%and3A_94, %dma_wait3A_274, %dma_wait3A_275] : memref<2x3x256xi32, #tpu.memory_space<vmem>> -> memref<1x3x256xi32, #tpu.memory_space<vmem>>
        %dma_wait3A_277 = tpu.memref_squeeze %dma_wait3A_276 : memref<1x3x256xi32, #tpu.memory_space<vmem>> -> memref<3x256xi32, #tpu.memory_space<vmem>>
        %dma_wait3A_278 = arith.constant 0 : i32
        %dma_wait3A_279 = tpu.memref_slice %arg3[%mul3A_2, %dma_wait3A_278] : memref<25059x256xi32, #tpu.memory_space<hbm>> -> memref<3x256xi32, #tpu.memory_space<hbm>>
        %dma_wait3A_280 = arith.constant 0 : i32
        %dma_wait3A_281 = arith.constant 0 : i32
        %dma_wait3A_282 = tpu.memref_slice %arg7[%and3A_94, %dma_wait3A_280, %dma_wait3A_281] : memref<2x3x256xi32, #tpu.memory_space<vmem>> -> memref<1x3x256xi32, #tpu.memory_space<vmem>>
        %dma_wait3A_283 = tpu.memref_squeeze %dma_wait3A_282 : memref<1x3x256xi32, #tpu.memory_space<vmem>> -> memref<3x256xi32, #tpu.memory_space<vmem>>
        %dma_wait3A_284 = arith.constant 0 : i32
        %dma_wait3A_285 = tpu.memref_slice %arg3[%mul3A_2, %dma_wait3A_284] : memref<25059x256xi32, #tpu.memory_space<hbm>> -> memref<3x256xi32, #tpu.memory_space<hbm>>
        tpu.wait_dma2 semaphore(%arg13 : memref<!tpu.dma_semaphore, #tpu.memory_space<semaphore_mem>>) src(%dma_wait3A_285 : memref<3x256xi32, #tpu.memory_space<hbm>>) dst(%dma_wait3A_283 : memref<3x256xi32, #tpu.memory_space<vmem>>)
      } else {
      }
      %mul3A_115 = arith.constant 768 : i32
      %mul3A_116 = arith.muli %and3A_94, %mul3A_115 : i32
      %add3A_117 = arith.constant 0 : i32
      %add3A_118 = arith.addi %mul3A_116, %add3A_117 : i32
      %dma_start3A_119 = arith.constant 0 : i32
      %dma_start3A_120 = arith.constant 0 : i32
      %dma_start3A_121 = tpu.memref_slice %arg9[%add3A_118, %dma_start3A_120] : memref<1536x16xf32, #tpu.memory_space<vmem>> -> memref<256x16xf32, #tpu.memory_space<vmem>>
      %dma_start3A_122 = arith.constant 0 : i32
      %dma_start3A_123 = tpu.memref_slice %arg7[%and3A_94, %dma_start3A_119, %dma_start3A_122] : memref<2x3x256xi32, #tpu.memory_space<vmem>> -> memref<1x1x256xi32, #tpu.memory_space<vmem>>
      %dma_start3A_124 = tpu.memref_squeeze %dma_start3A_123 : memref<1x1x256xi32, #tpu.memory_space<vmem>> -> memref<256xi32, #tpu.memory_space<vmem>>
      %dma_start3A_125 = arith.constant 0 : i32
      %dma_start3A_126 = arith.constant 0 : i32
      %dma_start3A_127 = tpu.memref_slice %arg2[%arg0, %dma_start3A_125, %dma_start3A_126] : memref<2x100000x16xf32, #tpu.memory_space<hbm>> -> memref<1x100000x16xf32, #tpu.memory_space<hbm>>
      %dma_start3A_128 = tpu.memref_squeeze %dma_start3A_127 : memref<1x100000x16xf32, #tpu.memory_space<hbm>> -> memref<100000x16xf32, #tpu.memory_space<hbm>>
      %dma_start3A_129 = arith.constant 0 : i32
      %dma_start3A_130 = arith.constant 0 : i32
      %dma_start3A_131 = tpu.memref_slice %dma_start3A_128[%dma_start3A_129, %dma_start3A_130] : memref<100000x16xf32, #tpu.memory_space<hbm>> -> memref<100000x16xf32, #tpu.memory_space<hbm>>
      tpu.enqueue_indirect_dma source(%dma_start3A_131 : memref<100000x16xf32, #tpu.memory_space<hbm>>) target(%dma_start3A_121 : memref<256x16xf32, #tpu.memory_space<vmem>>) offsets(%dma_start3A_124 : memref<256xi32, #tpu.memory_space<vmem>>) semaphore(%arg11 : memref<!tpu.dma_semaphore, #tpu.memory_space<semaphore_mem>>)
      %mul3A_132 = arith.constant 768 : i32
      %mul3A_133 = arith.muli %and3A_94, %mul3A_132 : i32
      %add3A_134 = arith.constant 256 : i32
      %add3A_135 = arith.addi %mul3A_133, %add3A_134 : i32
      %dma_start3A_136 = arith.constant 1 : i32
      %dma_start3A_137 = arith.constant 0 : i32
      %dma_start3A_138 = tpu.memref_slice %arg9[%add3A_135, %dma_start3A_137] : memref<1536x16xf32, #tpu.memory_space<vmem>> -> memref<256x16xf32, #tpu.memory_space<vmem>>
      %dma_start3A_139 = arith.constant 0 : i32
      %dma_start3A_140 = tpu.memref_slice %arg7[%and3A_94, %dma_start3A_136, %dma_start3A_139] : memref<2x3x256xi32, #tpu.memory_space<vmem>> -> memref<1x1x256xi32, #tpu.memory_space<vmem>>
      %dma_start3A_141 = tpu.memref_squeeze %dma_start3A_140 : memref<1x1x256xi32, #tpu.memory_space<vmem>> -> memref<256xi32, #tpu.memory_space<vmem>>
      %dma_start3A_142 = arith.constant 0 : i32
      %dma_start3A_143 = arith.constant 0 : i32
      %dma_start3A_144 = tpu.memref_slice %arg2[%arg0, %dma_start3A_142, %dma_start3A_143] : memref<2x100000x16xf32, #tpu.memory_space<hbm>> -> memref<1x100000x16xf32, #tpu.memory_space<hbm>>
      %dma_start3A_145 = tpu.memref_squeeze %dma_start3A_144 : memref<1x100000x16xf32, #tpu.memory_space<hbm>> -> memref<100000x16xf32, #tpu.memory_space<hbm>>
      %dma_start3A_146 = arith.constant 0 : i32
      %dma_start3A_147 = arith.constant 0 : i32
      %dma_start3A_148 = tpu.memref_slice %dma_start3A_145[%dma_start3A_146, %dma_start3A_147] : memref<100000x16xf32, #tpu.memory_space<hbm>> -> memref<100000x16xf32, #tpu.memory_space<hbm>>
      tpu.enqueue_indirect_dma source(%dma_start3A_148 : memref<100000x16xf32, #tpu.memory_space<hbm>>) target(%dma_start3A_138 : memref<256x16xf32, #tpu.memory_space<vmem>>) offsets(%dma_start3A_141 : memref<256xi32, #tpu.memory_space<vmem>>) semaphore(%arg11 : memref<!tpu.dma_semaphore, #tpu.memory_space<semaphore_mem>>)
      %mul3A_149 = arith.constant 768 : i32
      %mul3A_150 = arith.muli %and3A_94, %mul3A_149 : i32
      %add3A_151 = arith.constant 512 : i32
      %add3A_152 = arith.addi %mul3A_150, %add3A_151 : i32
      %dma_start3A_153 = arith.constant 2 : i32
      %dma_start3A_154 = arith.constant 0 : i32
      %dma_start3A_155 = tpu.memref_slice %arg9[%add3A_152, %dma_start3A_154] : memref<1536x16xf32, #tpu.memory_space<vmem>> -> memref<256x16xf32, #tpu.memory_space<vmem>>
      %dma_start3A_156 = arith.constant 0 : i32
      %dma_start3A_157 = tpu.memref_slice %arg7[%and3A_94, %dma_start3A_153, %dma_start3A_156] : memref<2x3x256xi32, #tpu.memory_space<vmem>> -> memref<1x1x256xi32, #tpu.memory_space<vmem>>
      %dma_start3A_158 = tpu.memref_squeeze %dma_start3A_157 : memref<1x1x256xi32, #tpu.memory_space<vmem>> -> memref<256xi32, #tpu.memory_space<vmem>>
      %dma_start3A_159 = arith.constant 0 : i32
      %dma_start3A_160 = arith.constant 0 : i32
      %dma_start3A_161 = tpu.memref_slice %arg2[%arg0, %dma_start3A_159, %dma_start3A_160] : memref<2x100000x16xf32, #tpu.memory_space<hbm>> -> memref<1x100000x16xf32, #tpu.memory_space<hbm>>
      %dma_start3A_162 = tpu.memref_squeeze %dma_start3A_161 : memref<1x100000x16xf32, #tpu.memory_space<hbm>> -> memref<100000x16xf32, #tpu.memory_space<hbm>>
      %dma_start3A_163 = arith.constant 0 : i32
      %dma_start3A_164 = arith.constant 0 : i32
      %dma_start3A_165 = tpu.memref_slice %dma_start3A_162[%dma_start3A_163, %dma_start3A_164] : memref<100000x16xf32, #tpu.memory_space<hbm>> -> memref<100000x16xf32, #tpu.memory_space<hbm>>
      tpu.enqueue_indirect_dma source(%dma_start3A_165 : memref<100000x16xf32, #tpu.memory_space<hbm>>) target(%dma_start3A_155 : memref<256x16xf32, #tpu.memory_space<vmem>>) offsets(%dma_start3A_158 : memref<256xi32, #tpu.memory_space<vmem>>) semaphore(%arg11 : memref<!tpu.dma_semaphore, #tpu.memory_space<semaphore_mem>>)
      %add3A_166 = arith.constant 1 : i32
      %add3A_167 = arith.addi %scan3A_93, %add3A_166 : i32
      %mul3A_168 = arith.constant 3 : i32
      %mul3A_169 = arith.muli %add3A_167, %mul3A_168 : i32
      %add3A_170 = arith.addi %mul3A_2, %mul3A_169 : i32
      %sub3A = arith.constant 1 : i32
      %sub3A_171 = arith.subi %sub3A, %and3A_94 : i32
      %dma_start3A_172 = arith.constant 0 : i32
      %dma_start3A_173 = arith.constant 0 : i32
      %dma_start3A_174 = tpu.memref_slice %arg7[%sub3A_171, %dma_start3A_172, %dma_start3A_173] : memref<2x3x256xi32, #tpu.memory_space<vmem>> -> memref<1x3x256xi32, #tpu.memory_space<vmem>>
      %dma_start3A_175 = tpu.memref_squeeze %dma_start3A_174 : memref<1x3x256xi32, #tpu.memory_space<vmem>> -> memref<3x256xi32, #tpu.memory_space<vmem>>
      %dma_start3A_176 = arith.constant 0 : i32
      %dma_start3A_177 = tpu.memref_slice %arg3[%add3A_170, %dma_start3A_176] : memref<25059x256xi32, #tpu.memory_space<hbm>> -> memref<3x256xi32, #tpu.memory_space<hbm>>
      %dma_start3A_178 = arith.constant 0 : i32
      %dma_start3A_179 = arith.constant 0 : i32
      %dma_start3A_180 = tpu.memref_slice %arg7[%sub3A_171, %dma_start3A_178, %dma_start3A_179] : memref<2x3x256xi32, #tpu.memory_space<vmem>> -> memref<1x3x256xi32, #tpu.memory_space<vmem>>
      %dma_start3A_181 = tpu.memref_squeeze %dma_start3A_180 : memref<1x3x256xi32, #tpu.memory_space<vmem>> -> memref<3x256xi32, #tpu.memory_space<vmem>>
      %dma_start3A_182 = arith.constant 0 : i32
      %dma_start3A_183 = tpu.memref_slice %arg3[%add3A_170, %dma_start3A_182] : memref<25059x256xi32, #tpu.memory_space<hbm>> -> memref<3x256xi32, #tpu.memory_space<hbm>>
      tpu.enqueue_dma source(%dma_start3A_183 : memref<3x256xi32, #tpu.memory_space<hbm>>) target(%dma_start3A_181 : memref<3x256xi32, #tpu.memory_space<vmem>>) target_semaphore(%arg13 : memref<!tpu.dma_semaphore, #tpu.memory_space<semaphore_mem>>)
      %dma_wait3A_184 = arith.constant 0 : i32
      %dma_wait3A_185 = arith.constant 0 : i32
      %dma_wait3A_186 = tpu.memref_slice %arg9[%add3A_118, %dma_wait3A_185] : memref<1536x16xf32, #tpu.memory_space<vmem>> -> memref<256x16xf32, #tpu.memory_space<vmem>>
      %dma_wait3A_187 = arith.constant 0 : i32
      %dma_wait3A_188 = tpu.memref_slice %arg7[%and3A_94, %dma_wait3A_184, %dma_wait3A_187] : memref<2x3x256xi32, #tpu.memory_space<vmem>> -> memref<1x1x256xi32, #tpu.memory_space<vmem>>
      %dma_wait3A_189 = tpu.memref_squeeze %dma_wait3A_188 : memref<1x1x256xi32, #tpu.memory_space<vmem>> -> memref<256xi32, #tpu.memory_space<vmem>>
      %dma_wait3A_190 = arith.constant 0 : i32
      %dma_wait3A_191 = arith.constant 0 : i32
      %dma_wait3A_192 = tpu.memref_slice %arg2[%arg0, %dma_wait3A_190, %dma_wait3A_191] : memref<2x100000x16xf32, #tpu.memory_space<hbm>> -> memref<1x100000x16xf32, #tpu.memory_space<hbm>>
      %dma_wait3A_193 = tpu.memref_squeeze %dma_wait3A_192 : memref<1x100000x16xf32, #tpu.memory_space<hbm>> -> memref<100000x16xf32, #tpu.memory_space<hbm>>
      %dma_wait3A_194 = arith.constant 0 : i32
      %dma_wait3A_195 = arith.constant 0 : i32
      %dma_wait3A_196 = tpu.memref_slice %dma_wait3A_193[%dma_wait3A_194, %dma_wait3A_195] : memref<100000x16xf32, #tpu.memory_space<hbm>> -> memref<100000x16xf32, #tpu.memory_space<hbm>>
      tpu.wait_indirect_dma semaphore(%arg11 : memref<!tpu.dma_semaphore, #tpu.memory_space<semaphore_mem>>) src(%dma_wait3A_196 : memref<100000x16xf32, #tpu.memory_space<hbm>>) dst(%dma_wait3A_186 : memref<256x16xf32, #tpu.memory_space<vmem>>)
      %dma_wait3A_197 = arith.constant 1 : i32
      %dma_wait3A_198 = arith.constant 0 : i32
      %dma_wait3A_199 = tpu.memref_slice %arg9[%add3A_135, %dma_wait3A_198] : memref<1536x16xf32, #tpu.memory_space<vmem>> -> memref<256x16xf32, #tpu.memory_space<vmem>>
      %dma_wait3A_200 = arith.constant 0 : i32
      %dma_wait3A_201 = tpu.memref_slice %arg7[%and3A_94, %dma_wait3A_197, %dma_wait3A_200] : memref<2x3x256xi32, #tpu.memory_space<vmem>> -> memref<1x1x256xi32, #tpu.memory_space<vmem>>
      %dma_wait3A_202 = tpu.memref_squeeze %dma_wait3A_201 : memref<1x1x256xi32, #tpu.memory_space<vmem>> -> memref<256xi32, #tpu.memory_space<vmem>>
      %dma_wait3A_203 = arith.constant 0 : i32
      %dma_wait3A_204 = arith.constant 0 : i32
      %dma_wait3A_205 = tpu.memref_slice %arg2[%arg0, %dma_wait3A_203, %dma_wait3A_204] : memref<2x100000x16xf32, #tpu.memory_space<hbm>> -> memref<1x100000x16xf32, #tpu.memory_space<hbm>>
      %dma_wait3A_206 = tpu.memref_squeeze %dma_wait3A_205 : memref<1x100000x16xf32, #tpu.memory_space<hbm>> -> memref<100000x16xf32, #tpu.memory_space<hbm>>
      %dma_wait3A_207 = arith.constant 0 : i32
      %dma_wait3A_208 = arith.constant 0 : i32
      %dma_wait3A_209 = tpu.memref_slice %dma_wait3A_206[%dma_wait3A_207, %dma_wait3A_208] : memref<100000x16xf32, #tpu.memory_space<hbm>> -> memref<100000x16xf32, #tpu.memory_space<hbm>>
      tpu.wait_indirect_dma semaphore(%arg11 : memref<!tpu.dma_semaphore, #tpu.memory_space<semaphore_mem>>) src(%dma_wait3A_209 : memref<100000x16xf32, #tpu.memory_space<hbm>>) dst(%dma_wait3A_199 : memref<256x16xf32, #tpu.memory_space<vmem>>)
      %dma_wait3A_210 = arith.constant 2 : i32
      %dma_wait3A_211 = arith.constant 0 : i32
      %dma_wait3A_212 = tpu.memref_slice %arg9[%add3A_152, %dma_wait3A_211] : memref<1536x16xf32, #tpu.memory_space<vmem>> -> memref<256x16xf32, #tpu.memory_space<vmem>>
      %dma_wait3A_213 = arith.constant 0 : i32
      %dma_wait3A_214 = tpu.memref_slice %arg7[%and3A_94, %dma_wait3A_210, %dma_wait3A_213] : memref<2x3x256xi32, #tpu.memory_space<vmem>> -> memref<1x1x256xi32, #tpu.memory_space<vmem>>
      %dma_wait3A_215 = tpu.memref_squeeze %dma_wait3A_214 : memref<1x1x256xi32, #tpu.memory_space<vmem>> -> memref<256xi32, #tpu.memory_space<vmem>>
      %dma_wait3A_216 = arith.constant 0 : i32
      %dma_wait3A_217 = arith.constant 0 : i32
      %dma_wait3A_218 = tpu.memref_slice %arg2[%arg0, %dma_wait3A_216, %dma_wait3A_217] : memref<2x100000x16xf32, #tpu.memory_space<hbm>> -> memref<1x100000x16xf32, #tpu.memory_space<hbm>>
      %dma_wait3A_219 = tpu.memref_squeeze %dma_wait3A_218 : memref<1x100000x16xf32, #tpu.memory_space<hbm>> -> memref<100000x16xf32, #tpu.memory_space<hbm>>
      %dma_wait3A_220 = arith.constant 0 : i32
      %dma_wait3A_221 = arith.constant 0 : i32
      %dma_wait3A_222 = tpu.memref_slice %dma_wait3A_219[%dma_wait3A_220, %dma_wait3A_221] : memref<100000x16xf32, #tpu.memory_space<hbm>> -> memref<100000x16xf32, #tpu.memory_space<hbm>>
      tpu.wait_indirect_dma semaphore(%arg11 : memref<!tpu.dma_semaphore, #tpu.memory_space<semaphore_mem>>) src(%dma_wait3A_222 : memref<100000x16xf32, #tpu.memory_space<hbm>>) dst(%dma_wait3A_212 : memref<256x16xf32, #tpu.memory_space<vmem>>)
      %dma_wait3A_223 = arith.constant 0 : i32
      %dma_wait3A_224 = arith.constant 0 : i32
      %dma_wait3A_225 = tpu.memref_slice %arg8[%and3A_94, %dma_wait3A_223, %dma_wait3A_224] : memref<2x3x256xi32, #tpu.memory_space<vmem>> -> memref<1x3x256xi32, #tpu.memory_space<vmem>>
      %dma_wait3A_226 = tpu.memref_squeeze %dma_wait3A_225 : memref<1x3x256xi32, #tpu.memory_space<vmem>> -> memref<3x256xi32, #tpu.memory_space<vmem>>
      %dma_wait3A_227 = arith.constant 0 : i32
      %dma_wait3A_228 = tpu.memref_slice %arg3[%mul3A_2, %dma_wait3A_227] : memref<25059x256xi32, #tpu.memory_space<hbm>> -> memref<3x256xi32, #tpu.memory_space<hbm>>
      %dma_wait3A_229 = arith.constant 0 : i32
      %dma_wait3A_230 = arith.constant 0 : i32
      %dma_wait3A_231 = tpu.memref_slice %arg8[%and3A_94, %dma_wait3A_229, %dma_wait3A_230] : memref<2x3x256xi32, #tpu.memory_space<vmem>> -> memref<1x3x256xi32, #tpu.memory_space<vmem>>
      %dma_wait3A_232 = tpu.memref_squeeze %dma_wait3A_231 : memref<1x3x256xi32, #tpu.memory_space<vmem>> -> memref<3x256xi32, #tpu.memory_space<vmem>>
      %dma_wait3A_233 = arith.constant 0 : i32
      %dma_wait3A_234 = tpu.memref_slice %arg3[%mul3A_2, %dma_wait3A_233] : memref<25059x256xi32, #tpu.memory_space<hbm>> -> memref<3x256xi32, #tpu.memory_space<hbm>>
      tpu.wait_dma2 semaphore(%arg14 : memref<!tpu.dma_semaphore, #tpu.memory_space<semaphore_mem>>) src(%dma_wait3A_234 : memref<3x256xi32, #tpu.memory_space<hbm>>) dst(%dma_wait3A_232 : memref<3x256xi32, #tpu.memory_space<vmem>>)
      %mul3A_235 = arith.constant 768 : i32
      %mul3A_236 = arith.muli %and3A_94, %mul3A_235 : i32
      %add3A_237 = arith.constant 0 : i32
      %add3A_238 = arith.addi %mul3A_236, %add3A_237 : i32
      %dma_start3A_239 = arith.constant 0 : i32
      %dma_start3A_240 = arith.constant 0 : i32
      %dma_start3A_241 = tpu.memref_slice %arg9[%add3A_238, %dma_start3A_240] : memref<1536x16xf32, #tpu.memory_space<vmem>> -> memref<256x16xf32, #tpu.memory_space<vmem>>
      %dma_start3A_242 = arith.constant 0 : i32
      %dma_start3A_243 = tpu.memref_slice %arg8[%and3A_94, %dma_start3A_239, %dma_start3A_242] : memref<2x3x256xi32, #tpu.memory_space<vmem>> -> memref<1x1x256xi32, #tpu.memory_space<vmem>>
      %dma_start3A_244 = tpu.memref_squeeze %dma_start3A_243 : memref<1x1x256xi32, #tpu.memory_space<vmem>> -> memref<256xi32, #tpu.memory_space<vmem>>
      %dma_start3A_245 = arith.constant 0 : i32
      %dma_start3A_246 = arith.constant 0 : i32
      %dma_start3A_247 = tpu.memref_slice %arg10[%dma_start3A_245, %dma_start3A_246] : memref<100096x16xf32, #tpu.memory_space<vmem_shared>> -> memref<100096x16xf32, #tpu.memory_space<vmem_shared>>
      tpu.enqueue_indirect_dma source(%dma_start3A_241 : memref<256x16xf32, #tpu.memory_space<vmem>>) target(%dma_start3A_247 : memref<100096x16xf32, #tpu.memory_space<vmem_shared>>) offsets(%dma_start3A_244 : memref<256xi32, #tpu.memory_space<vmem>>) semaphore(%arg12 : memref<!tpu.dma_semaphore, #tpu.memory_space<semaphore_mem>>) {add = true}
      %mul3A_248 = arith.constant 768 : i32
      %mul3A_249 = arith.muli %and3A_94, %mul3A_248 : i32
      %add3A_250 = arith.constant 256 : i32
      %add3A_251 = arith.addi %mul3A_249, %add3A_250 : i32
      %dma_start3A_252 = arith.constant 1 : i32
      %dma_start3A_253 = arith.constant 0 : i32
      %dma_start3A_254 = tpu.memref_slice %arg9[%add3A_251, %dma_start3A_253] : memref<1536x16xf32, #tpu.memory_space<vmem>> -> memref<256x16xf32, #tpu.memory_space<vmem>>
      %dma_start3A_255 = arith.constant 0 : i32
      %dma_start3A_256 = tpu.memref_slice %arg8[%and3A_94, %dma_start3A_252, %dma_start3A_255] : memref<2x3x256xi32, #tpu.memory_space<vmem>> -> memref<1x1x256xi32, #tpu.memory_space<vmem>>
      %dma_start3A_257 = tpu.memref_squeeze %dma_start3A_256 : memref<1x1x256xi32, #tpu.memory_space<vmem>> -> memref<256xi32, #tpu.memory_space<vmem>>
      %dma_start3A_258 = arith.constant 0 : i32
      %dma_start3A_259 = arith.constant 0 : i32
      %dma_start3A_260 = tpu.memref_slice %arg10[%dma_start3A_258, %dma_start3A_259] : memref<100096x16xf32, #tpu.memory_space<vmem_shared>> -> memref<100096x16xf32, #tpu.memory_space<vmem_shared>>
      tpu.enqueue_indirect_dma source(%dma_start3A_254 : memref<256x16xf32, #tpu.memory_space<vmem>>) target(%dma_start3A_260 : memref<100096x16xf32, #tpu.memory_space<vmem_shared>>) offsets(%dma_start3A_257 : memref<256xi32, #tpu.memory_space<vmem>>) semaphore(%arg12 : memref<!tpu.dma_semaphore, #tpu.memory_space<semaphore_mem>>) {add = true}
      %mul3A_261 = arith.constant 768 : i32
      %mul3A_262 = arith.muli %and3A_94, %mul3A_261 : i32
      %add3A_263 = arith.constant 512 : i32
      %add3A_264 = arith.addi %mul3A_262, %add3A_263 : i32
      %dma_start3A_265 = arith.constant 2 : i32
      %dma_start3A_266 = arith.constant 0 : i32
      %dma_start3A_267 = tpu.memref_slice %arg9[%add3A_264, %dma_start3A_266] : memref<1536x16xf32, #tpu.memory_space<vmem>> -> memref<256x16xf32, #tpu.memory_space<vmem>>
      %dma_start3A_268 = arith.constant 0 : i32
      %dma_start3A_269 = tpu.memref_slice %arg8[%and3A_94, %dma_start3A_265, %dma_start3A_268] : memref<2x3x256xi32, #tpu.memory_space<vmem>> -> memref<1x1x256xi32, #tpu.memory_space<vmem>>
      %dma_start3A_270 = tpu.memref_squeeze %dma_start3A_269 : memref<1x1x256xi32, #tpu.memory_space<vmem>> -> memref<256xi32, #tpu.memory_space<vmem>>
      %dma_start3A_271 = arith.constant 0 : i32
      %dma_start3A_272 = arith.constant 0 : i32
      %dma_start3A_273 = tpu.memref_slice %arg10[%dma_start3A_271, %dma_start3A_272] : memref<100096x16xf32, #tpu.memory_space<vmem_shared>> -> memref<100096x16xf32, #tpu.memory_space<vmem_shared>>
      tpu.enqueue_indirect_dma source(%dma_start3A_267 : memref<256x16xf32, #tpu.memory_space<vmem>>) target(%dma_start3A_273 : memref<100096x16xf32, #tpu.memory_space<vmem_shared>>) offsets(%dma_start3A_270 : memref<256xi32, #tpu.memory_space<vmem>>) semaphore(%arg12 : memref<!tpu.dma_semaphore, #tpu.memory_space<semaphore_mem>>) {add = true}
    }
    %scan3A_7 = arith.constant 522 : i32
    %dma_wait3A = arith.constant 0 : i32
    %dma_wait3A_8 = arith.constant 0 : i32
    %dma_wait3A_9 = tpu.memref_slice %arg9[%dma_wait3A, %dma_wait3A_8] : memref<1536x16xf32, #tpu.memory_space<vmem>> -> memref<256x16xf32, #tpu.memory_space<vmem>>
    %dma_wait3A_10 = arith.constant 0 : i32
    %dma_wait3A_11 = arith.constant 0 : i32
    %dma_wait3A_12 = tpu.memref_slice %arg5[%dma_wait3A_10, %dma_wait3A_11] : memref<100096x16xf32, #tpu.memory_space<hbm>> -> memref<256x16xf32, #tpu.memory_space<hbm>>
    %dma_wait3A_13 = arith.constant 0 : i32
    %dma_wait3A_14 = arith.constant 0 : i32
    %dma_wait3A_15 = tpu.memref_slice %arg9[%dma_wait3A_13, %dma_wait3A_14] : memref<1536x16xf32, #tpu.memory_space<vmem>> -> memref<256x16xf32, #tpu.memory_space<vmem>>
    %dma_wait3A_16 = arith.constant 0 : i32
    %dma_wait3A_17 = arith.constant 0 : i32
    %dma_wait3A_18 = tpu.memref_slice %arg5[%dma_wait3A_16, %dma_wait3A_17] : memref<100096x16xf32, #tpu.memory_space<hbm>> -> memref<256x16xf32, #tpu.memory_space<hbm>>
    tpu.wait_dma2 semaphore(%arg12 : memref<!tpu.dma_semaphore, #tpu.memory_space<semaphore_mem>>) src(%dma_wait3A_18 : memref<256x16xf32, #tpu.memory_space<hbm>>) dst(%dma_wait3A_15 : memref<256x16xf32, #tpu.memory_space<vmem>>)
    %dma_wait3A_19 = arith.constant 256 : i32
    %dma_wait3A_20 = arith.constant 0 : i32
    %dma_wait3A_21 = tpu.memref_slice %arg9[%dma_wait3A_19, %dma_wait3A_20] : memref<1536x16xf32, #tpu.memory_space<vmem>> -> memref<256x16xf32, #tpu.memory_space<vmem>>
    %dma_wait3A_22 = arith.constant 0 : i32
    %dma_wait3A_23 = arith.constant 0 : i32
    %dma_wait3A_24 = tpu.memref_slice %arg5[%dma_wait3A_22, %dma_wait3A_23] : memref<100096x16xf32, #tpu.memory_space<hbm>> -> memref<256x16xf32, #tpu.memory_space<hbm>>
    %dma_wait3A_25 = arith.constant 256 : i32
    %dma_wait3A_26 = arith.constant 0 : i32
    %dma_wait3A_27 = tpu.memref_slice %arg9[%dma_wait3A_25, %dma_wait3A_26] : memref<1536x16xf32, #tpu.memory_space<vmem>> -> memref<256x16xf32, #tpu.memory_space<vmem>>
    %dma_wait3A_28 = arith.constant 0 : i32
    %dma_wait3A_29 = arith.constant 0 : i32
    %dma_wait3A_30 = tpu.memref_slice %arg5[%dma_wait3A_28, %dma_wait3A_29] : memref<100096x16xf32, #tpu.memory_space<hbm>> -> memref<256x16xf32, #tpu.memory_space<hbm>>
    tpu.wait_dma2 semaphore(%arg12 : memref<!tpu.dma_semaphore, #tpu.memory_space<semaphore_mem>>) src(%dma_wait3A_30 : memref<256x16xf32, #tpu.memory_space<hbm>>) dst(%dma_wait3A_27 : memref<256x16xf32, #tpu.memory_space<vmem>>)
    %dma_wait3A_31 = arith.constant 512 : i32
    %dma_wait3A_32 = arith.constant 0 : i32
    %dma_wait3A_33 = tpu.memref_slice %arg9[%dma_wait3A_31, %dma_wait3A_32] : memref<1536x16xf32, #tpu.memory_space<vmem>> -> memref<256x16xf32, #tpu.memory_space<vmem>>
    %dma_wait3A_34 = arith.constant 0 : i32
    %dma_wait3A_35 = arith.constant 0 : i32
    %dma_wait3A_36 = tpu.memref_slice %arg5[%dma_wait3A_34, %dma_wait3A_35] : memref<100096x16xf32, #tpu.memory_space<hbm>> -> memref<256x16xf32, #tpu.memory_space<hbm>>
    %dma_wait3A_37 = arith.constant 512 : i32
    %dma_wait3A_38 = arith.constant 0 : i32
    %dma_wait3A_39 = tpu.memref_slice %arg9[%dma_wait3A_37, %dma_wait3A_38] : memref<1536x16xf32, #tpu.memory_space<vmem>> -> memref<256x16xf32, #tpu.memory_space<vmem>>
    %dma_wait3A_40 = arith.constant 0 : i32
    %dma_wait3A_41 = arith.constant 0 : i32
    %dma_wait3A_42 = tpu.memref_slice %arg5[%dma_wait3A_40, %dma_wait3A_41] : memref<100096x16xf32, #tpu.memory_space<hbm>> -> memref<256x16xf32, #tpu.memory_space<hbm>>
    tpu.wait_dma2 semaphore(%arg12 : memref<!tpu.dma_semaphore, #tpu.memory_space<semaphore_mem>>) src(%dma_wait3A_42 : memref<256x16xf32, #tpu.memory_space<hbm>>) dst(%dma_wait3A_39 : memref<256x16xf32, #tpu.memory_space<vmem>>)
    %dma_wait3A_43 = arith.constant 0 : i32
    %dma_wait3A_44 = arith.constant 0 : i32
    %dma_wait3A_45 = tpu.memref_slice %arg9[%dma_wait3A_43, %dma_wait3A_44] : memref<1536x16xf32, #tpu.memory_space<vmem>> -> memref<256x16xf32, #tpu.memory_space<vmem>>
    %dma_wait3A_46 = arith.constant 0 : i32
    %dma_wait3A_47 = arith.constant 0 : i32
    %dma_wait3A_48 = tpu.memref_slice %arg5[%dma_wait3A_46, %dma_wait3A_47] : memref<100096x16xf32, #tpu.memory_space<hbm>> -> memref<256x16xf32, #tpu.memory_space<hbm>>
    %dma_wait3A_49 = arith.constant 0 : i32
    %dma_wait3A_50 = arith.constant 0 : i32
    %dma_wait3A_51 = tpu.memref_slice %arg9[%dma_wait3A_49, %dma_wait3A_50] : memref<1536x16xf32, #tpu.memory_space<vmem>> -> memref<256x16xf32, #tpu.memory_space<vmem>>
    %dma_wait3A_52 = arith.constant 0 : i32
    %dma_wait3A_53 = arith.constant 0 : i32
    %dma_wait3A_54 = tpu.memref_slice %arg5[%dma_wait3A_52, %dma_wait3A_53] : memref<100096x16xf32, #tpu.memory_space<hbm>> -> memref<256x16xf32, #tpu.memory_space<hbm>>
    tpu.wait_dma2 semaphore(%arg12 : memref<!tpu.dma_semaphore, #tpu.memory_space<semaphore_mem>>) src(%dma_wait3A_54 : memref<256x16xf32, #tpu.memory_space<hbm>>) dst(%dma_wait3A_51 : memref<256x16xf32, #tpu.memory_space<vmem>>)
    %dma_wait3A_55 = arith.constant 256 : i32
    %dma_wait3A_56 = arith.constant 0 : i32
    %dma_wait3A_57 = tpu.memref_slice %arg9[%dma_wait3A_55, %dma_wait3A_56] : memref<1536x16xf32, #tpu.memory_space<vmem>> -> memref<256x16xf32, #tpu.memory_space<vmem>>
    %dma_wait3A_58 = arith.constant 0 : i32
    %dma_wait3A_59 = arith.constant 0 : i32
    %dma_wait3A_60 = tpu.memref_slice %arg5[%dma_wait3A_58, %dma_wait3A_59] : memref<100096x16xf32, #tpu.memory_space<hbm>> -> memref<256x16xf32, #tpu.memory_space<hbm>>
    %dma_wait3A_61 = arith.constant 256 : i32
    %dma_wait3A_62 = arith.constant 0 : i32
    %dma_wait3A_63 = tpu.memref_slice %arg9[%dma_wait3A_61, %dma_wait3A_62] : memref<1536x16xf32, #tpu.memory_space<vmem>> -> memref<256x16xf32, #tpu.memory_space<vmem>>
    %dma_wait3A_64 = arith.constant 0 : i32
    %dma_wait3A_65 = arith.constant 0 : i32
    %dma_wait3A_66 = tpu.memref_slice %arg5[%dma_wait3A_64, %dma_wait3A_65] : memref<100096x16xf32, #tpu.memory_space<hbm>> -> memref<256x16xf32, #tpu.memory_space<hbm>>
    tpu.wait_dma2 semaphore(%arg12 : memref<!tpu.dma_semaphore, #tpu.memory_space<semaphore_mem>>) src(%dma_wait3A_66 : memref<256x16xf32, #tpu.memory_space<hbm>>) dst(%dma_wait3A_63 : memref<256x16xf32, #tpu.memory_space<vmem>>)
    %dma_wait3A_67 = arith.constant 512 : i32
    %dma_wait3A_68 = arith.constant 0 : i32
    %dma_wait3A_69 = tpu.memref_slice %arg9[%dma_wait3A_67, %dma_wait3A_68] : memref<1536x16xf32, #tpu.memory_space<vmem>> -> memref<256x16xf32, #tpu.memory_space<vmem>>
    %dma_wait3A_70 = arith.constant 0 : i32
    %dma_wait3A_71 = arith.constant 0 : i32
    %dma_wait3A_72 = tpu.memref_slice %arg5[%dma_wait3A_70, %dma_wait3A_71] : memref<100096x16xf32, #tpu.memory_space<hbm>> -> memref<256x16xf32, #tpu.memory_space<hbm>>
    %dma_wait3A_73 = arith.constant 512 : i32
    %dma_wait3A_74 = arith.constant 0 : i32
    %dma_wait3A_75 = tpu.memref_slice %arg9[%dma_wait3A_73, %dma_wait3A_74] : memref<1536x16xf32, #tpu.memory_space<vmem>> -> memref<256x16xf32, #tpu.memory_space<vmem>>
    %dma_wait3A_76 = arith.constant 0 : i32
    %dma_wait3A_77 = arith.constant 0 : i32
    %dma_wait3A_78 = tpu.memref_slice %arg5[%dma_wait3A_76, %dma_wait3A_77] : memref<100096x16xf32, #tpu.memory_space<hbm>> -> memref<256x16xf32, #tpu.memory_space<hbm>>
    tpu.wait_dma2 semaphore(%arg12 : memref<!tpu.dma_semaphore, #tpu.memory_space<semaphore_mem>>) src(%dma_wait3A_78 : memref<256x16xf32, #tpu.memory_space<hbm>>) dst(%dma_wait3A_75 : memref<256x16xf32, #tpu.memory_space<vmem>>)
    %dma_wait3A_79 = arith.constant 0 : i32
    %dma_wait3A_80 = arith.constant 0 : i32
    %dma_wait3A_81 = arith.constant 0 : i32
    %dma_wait3A_82 = tpu.memref_slice %arg7[%dma_wait3A_79, %dma_wait3A_80, %dma_wait3A_81] : memref<2x3x256xi32, #tpu.memory_space<vmem>> -> memref<1x3x256xi32, #tpu.memory_space<vmem>>
    %dma_wait3A_83 = tpu.memref_squeeze %dma_wait3A_82 : memref<1x3x256xi32, #tpu.memory_space<vmem>> -> memref<3x256xi32, #tpu.memory_space<vmem>>
    %dma_wait3A_84 = arith.constant 0 : i32
    %dma_wait3A_85 = tpu.memref_slice %arg3[%mul3A_2, %dma_wait3A_84] : memref<25059x256xi32, #tpu.memory_space<hbm>> -> memref<3x256xi32, #tpu.memory_space<hbm>>
    %dma_wait3A_86 = arith.constant 0 : i32
    %dma_wait3A_87 = arith.constant 0 : i32
    %dma_wait3A_88 = tpu.memref_slice %arg7[%dma_wait3A_79, %dma_wait3A_86, %dma_wait3A_87] : memref<2x3x256xi32, #tpu.memory_space<vmem>> -> memref<1x3x256xi32, #tpu.memory_space<vmem>>
    %dma_wait3A_89 = tpu.memref_squeeze %dma_wait3A_88 : memref<1x3x256xi32, #tpu.memory_space<vmem>> -> memref<3x256xi32, #tpu.memory_space<vmem>>
    %dma_wait3A_90 = arith.constant 0 : i32
    %dma_wait3A_91 = tpu.memref_slice %arg3[%mul3A_2, %dma_wait3A_90] : memref<25059x256xi32, #tpu.memory_space<hbm>> -> memref<3x256xi32, #tpu.memory_space<hbm>>
    tpu.wait_dma2 semaphore(%arg13 : memref<!tpu.dma_semaphore, #tpu.memory_space<semaphore_mem>>) src(%dma_wait3A_91 : memref<3x256xi32, #tpu.memory_space<hbm>>) dst(%dma_wait3A_89 : memref<3x256xi32, #tpu.memory_space<vmem>>)
    %barrier3A_92 = arith.constant 0 : index
    tpu.barrier barrier_id(%barrier3A_92)
    "tpu.region"() ({
      %run_scoped3A_93 = tpu.sem_alloc : memref<!tpu.dma_semaphore, #tpu.memory_space<semaphore_mem>>
      %dma_start3A = arith.constant 0 : i32
      %dma_start3A_94 = tpu.memref_slice %arg6[%arg0, %mul3A_0, %dma_start3A] : memref<2x100096x16xf32, #tpu.memory_space<hbm>> -> memref<1x6256x16xf32, #tpu.memory_space<hbm>>
      %dma_start3A_95 = tpu.memref_squeeze %dma_start3A_94 : memref<1x6256x16xf32, #tpu.memory_space<hbm>> -> memref<6256x16xf32, #tpu.memory_space<hbm>>
      %dma_start3A_96 = arith.constant 0 : i32
      %dma_start3A_97 = tpu.memref_slice %arg10[%mul3A_0, %dma_start3A_96] : memref<100096x16xf32, #tpu.memory_space<vmem_shared>> -> memref<6256x16xf32, #tpu.memory_space<vmem_shared>>
      tpu.enqueue_dma source(%dma_start3A_97 : memref<6256x16xf32, #tpu.memory_space<vmem_shared>>) target(%dma_start3A_95 : memref<6256x16xf32, #tpu.memory_space<hbm>>) target_semaphore(%run_scoped3A_93 : memref<!tpu.dma_semaphore, #tpu.memory_space<semaphore_mem>>)
      %dma_wait3A_98 = arith.constant 0 : i32
      %dma_wait3A_99 = tpu.memref_slice %arg6[%arg0, %mul3A_0, %dma_wait3A_98] : memref<2x100096x16xf32, #tpu.memory_space<hbm>> -> memref<1x6256x16xf32, #tpu.memory_space<hbm>>
      %dma_wait3A_100 = tpu.memref_squeeze %dma_wait3A_99 : memref<1x6256x16xf32, #tpu.memory_space<hbm>> -> memref<6256x16xf32, #tpu.memory_space<hbm>>
      %dma_wait3A_101 = arith.constant 0 : i32
      %dma_wait3A_102 = tpu.memref_slice %arg10[%mul3A_0, %dma_wait3A_101] : memref<100096x16xf32, #tpu.memory_space<vmem_shared>> -> memref<6256x16xf32, #tpu.memory_space<vmem_shared>>
      tpu.wait_dma2 semaphore(%run_scoped3A_93 : memref<!tpu.dma_semaphore, #tpu.memory_space<semaphore_mem>>) src(%dma_wait3A_102 : memref<6256x16xf32, #tpu.memory_space<vmem_shared>>) dst(%dma_wait3A_100 : memref<6256x16xf32, #tpu.memory_space<hbm>>)
      tpu.yield
    }) : () -> ()
    return
  }
}

module attributes {stable_mosaic.version = 14 : i64} {
  func.func @body(%arg0: i32, %arg1: memref<2x1000x16xf32, #tpu.memory_space<vmem>>, %arg2: memref<16x32xf32, #tpu.memory_space<vmem>>, %arg3: memref<1x32xf32, #tpu.memory_space<vmem>>, %arg4: memref<2x1000x16xf32, #tpu.memory_space<vmem>>, %arg5: memref<1000x8xf32, #tpu.memory_space<vmem>>) attributes {dimension_semantics = [#tpu.dimension_semantics<arbitrary>], iteration_bounds = array<i64: 100>, scalar_prefetch = 0 : i64, scratch_operands = 0 : i64, tpu.core_type = #tpu.core_type<tc>, window_params = [{transform_indices = @transform_0, window_bounds = array<i64: 2, 1000, 16>}, {pipeline_mode = #tpu.pipeline_mode<synchronous>, transform_indices = @transform_1, window_bounds = array<i64: 16, 32>}, {pipeline_mode = #tpu.pipeline_mode<synchronous>, transform_indices = @transform_2, window_bounds = array<i64: 1, 32>}, {transform_indices = @transform_3, window_bounds = array<i64: 2, 1000, 16>}, {transform_indices = @transform_4, window_bounds = array<i64: 1000, 8>}]} {
    %get3A = arith.constant 0 : index
    %get3A_0 = arith.constant 0 : index
    %get3A_1 = arith.constant 0 : index
    %get3A_2 = vector.load %arg1[%get3A, %get3A_0, %get3A_1] : memref<2x1000x16xf32, #tpu.memory_space<vmem>>, vector<1x1000x16xf32>
    %get3A_3 = vector.shape_cast %get3A_2 : vector<1x1000x16xf32> to vector<1000x16xf32>
    %get3A_4 = arith.constant 1 : index
    %get3A_5 = arith.constant 0 : index
    %get3A_6 = arith.constant 0 : index
    %get3A_7 = vector.load %arg1[%get3A_4, %get3A_5, %get3A_6] : memref<2x1000x16xf32, #tpu.memory_space<vmem>>, vector<1x1000x16xf32>
    %get3A_8 = vector.shape_cast %get3A_7 : vector<1x1000x16xf32> to vector<1000x16xf32>
    %add3A = arith.addf %get3A_3, %get3A_8 : vector<1000x16xf32>
    %slice3A = vector.extract_strided_slice %add3A {offsets = [0, 4], sizes = [1000, 1], strides = [1, 1]} : vector<1000x16xf32> to vector<1000x1xf32>
    %max3A = arith.constant 1.000000e+00 : f32
    %max3A_9 = vector.broadcast %max3A : f32 to vector<1000x1xf32>
    %max3A_10 = arith.maximumf %slice3A, %max3A_9 : vector<1000x1xf32>
    %div3A = arith.constant 1.000000e+00 : f32
    %div3A_11 = vector.broadcast %div3A : f32 to vector<1000x1xf32>
    %div3A_12 = arith.divf %div3A_11, %max3A_10 : vector<1000x1xf32>
    %mul3A = vector.broadcast %div3A_12 : vector<1000x1xf32> to vector<1000x16xf32>
    %mul3A_13 = arith.mulf %add3A, %mul3A : vector<1000x16xf32>
    %get3A_14 = arith.constant 0 : index
    %get3A_15 = arith.constant 0 : index
    %get3A_16 = vector.load %arg2[%get3A_14, %get3A_15] : memref<16x32xf32, #tpu.memory_space<vmem>>, vector<16x32xf32>
    %dot_general3A = arith.constant dense<0.000000e+00> : vector<1000x32xf32>
    %dot_general3A_17 = tpu.matmul %mul3A_13, %get3A_16, %dot_general3A {dimension_numbers = #tpu.dot_dimension_numbers<[1], [0], [0], [1], [0, 0, 1, 1], [], []>, transpose_lhs_hint = false} : vector<1000x16xf32>, vector<16x32xf32>, vector<1000x32xf32> -> vector<1000x32xf32>
    %get3A_18 = arith.constant 0 : index
    %get3A_19 = arith.constant 0 : index
    %get3A_20 = vector.load %arg3[%get3A_18, %get3A_19] : memref<1x32xf32, #tpu.memory_space<vmem>>, vector<1x32xf32>
    %add3A_21 = vector.broadcast %get3A_20 : vector<1x32xf32> to vector<1000x32xf32>
    %add3A_22 = arith.addf %dot_general3A_17, %add3A_21 : vector<1000x32xf32>
    %max3A_23 = arith.constant 0.000000e+00 : f32
    %max3A_24 = vector.broadcast %max3A_23 : f32 to vector<1000x32xf32>
    %max3A_25 = arith.maximumf %add3A_22, %max3A_24 : vector<1000x32xf32>
    %slice3A_26 = vector.extract_strided_slice %max3A_25 {offsets = [0, 0], sizes = [1000, 16], strides = [1, 1]} : vector<1000x32xf32> to vector<1000x16xf32>
    %swap3A = arith.constant 0 : index
    %swap3A_27 = arith.constant 0 : index
    %swap3A_28 = arith.constant 0 : index
    %swap3A_29 = vector.load %arg4[%swap3A, %swap3A_27, %swap3A_28] : memref<2x1000x16xf32, #tpu.memory_space<vmem>>, vector<1x1000x16xf32>
    %swap3A_30 = vector.shape_cast %swap3A_29 : vector<1x1000x16xf32> to vector<1000x16xf32>
    %swap3A_31 = vector.shape_cast %slice3A_26 : vector<1000x16xf32> to vector<1x1000x16xf32>
    tpu.vector_store %arg4[%swap3A, %swap3A_27, %swap3A_28], %swap3A_31 {strides = array<i32>} : memref<2x1000x16xf32, #tpu.memory_space<vmem>>, vector<1x1000x16xf32>,
    %slice3A_32 = vector.extract_strided_slice %max3A_25 {offsets = [0, 16], sizes = [1000, 16], strides = [1, 1]} : vector<1000x32xf32> to vector<1000x16xf32>
    %swap3A_33 = arith.constant 1 : index
    %swap3A_34 = arith.constant 0 : index
    %swap3A_35 = arith.constant 0 : index
    %swap3A_36 = vector.load %arg4[%swap3A_33, %swap3A_34, %swap3A_35] : memref<2x1000x16xf32, #tpu.memory_space<vmem>>, vector<1x1000x16xf32>
    %swap3A_37 = vector.shape_cast %swap3A_36 : vector<1x1000x16xf32> to vector<1000x16xf32>
    %swap3A_38 = vector.shape_cast %slice3A_32 : vector<1000x16xf32> to vector<1x1000x16xf32>
    tpu.vector_store %arg4[%swap3A_33, %swap3A_34, %swap3A_35], %swap3A_38 {strides = array<i32>} : memref<2x1000x16xf32, #tpu.memory_space<vmem>>, vector<1x1000x16xf32>,
    %broadcast_in_dim3A = vector.shape_cast %div3A_12 : vector<1000x1xf32> to vector<1000x1xf32>
    %broadcast_in_dim3A_39 = vector.broadcast %broadcast_in_dim3A : vector<1000x1xf32> to vector<1000x8xf32>
    %swap3A_40 = arith.constant 0 : index
    %swap3A_41 = arith.constant 0 : index
    %swap3A_42 = vector.load %arg5[%swap3A_40, %swap3A_41] : memref<1000x8xf32, #tpu.memory_space<vmem>>, vector<1000x8xf32>
    tpu.vector_store %arg5[%swap3A_40, %swap3A_41], %broadcast_in_dim3A_39 {strides = array<i32>} : memref<1000x8xf32, #tpu.memory_space<vmem>>, vector<1000x8xf32>,
    return
  }
  func.func @transform_0(%arg0: i32) -> (i32, i32, i32) {
    %c0_i32 = arith.constant 0 : i32
    %c0_i32_0 = arith.constant 0 : i32
    %c0_i32_1 = arith.constant 0 : i32
    return %c0_i32, %arg0, %c0_i32_0 : i32, i32, i32
  }
  func.func @transform_1(%arg0: i32) -> (i32, i32) {
    %c0_i32 = arith.constant 0 : i32
    %c0_i32_0 = arith.constant 0 : i32
    %c0_i32_1 = arith.constant 0 : i32
    return %c0_i32, %c0_i32_0 : i32, i32
  }
  func.func @transform_2(%arg0: i32) -> (i32, i32) {
    %c0_i32 = arith.constant 0 : i32
    %c0_i32_0 = arith.constant 0 : i32
    %c0_i32_1 = arith.constant 0 : i32
    return %c0_i32, %c0_i32_0 : i32, i32
  }
  func.func @transform_3(%arg0: i32) -> (i32, i32, i32) {
    %c0_i32 = arith.constant 0 : i32
    %c0_i32_0 = arith.constant 0 : i32
    %c0_i32_1 = arith.constant 0 : i32
    return %c0_i32, %arg0, %c0_i32_0 : i32, i32, i32
  }
  func.func @transform_4(%arg0: i32) -> (i32, i32) {
    %c0_i32 = arith.constant 0 : i32
    %c0_i32_0 = arith.constant 0 : i32
    return %arg0, %c0_i32 : i32, i32
  }
}

module attributes {stable_mosaic.version = 14 : i64} {
  func.func @body(%arg0: i32, %arg1: memref<2x1000x16xf32, #tpu.memory_space<vmem>>, %arg2: memref<1000x8xf32, #tpu.memory_space<vmem>>, %arg3: memref<2x16x32xf32, #tpu.memory_space<vmem>>, %arg4: memref<1x32xf32, #tpu.memory_space<vmem>>, %arg5: memref<1000x32xf32, #tpu.memory_space<vmem>>) attributes {dimension_semantics = [#tpu.dimension_semantics<arbitrary>], iteration_bounds = array<i64: 100>, scalar_prefetch = 0 : i64, scratch_operands = 0 : i64, tpu.core_type = #tpu.core_type<tc>, window_params = [{transform_indices = @transform_0, window_bounds = array<i64: 2, 1000, 16>}, {transform_indices = @transform_1, window_bounds = array<i64: 1000, 8>}, {pipeline_mode = #tpu.pipeline_mode<synchronous>, transform_indices = @transform_2, window_bounds = array<i64: 2, 16, 32>}, {pipeline_mode = #tpu.pipeline_mode<synchronous>, transform_indices = @transform_3, window_bounds = array<i64: 1, 32>}, {transform_indices = @transform_4, window_bounds = array<i64: 1000, 32>}]} {
    %get3A = arith.constant 0 : index
    %get3A_0 = arith.constant 0 : index
    %get3A_1 = arith.constant 0 : index
    %get3A_2 = vector.load %arg1[%get3A, %get3A_0, %get3A_1] : memref<2x1000x16xf32, #tpu.memory_space<vmem>>, vector<1x1000x16xf32>
    %get3A_3 = vector.shape_cast %get3A_2 : vector<1x1000x16xf32> to vector<1000x16xf32>
    %get3A_4 = arith.constant 0 : index
    %get3A_5 = arith.constant 0 : index
    %get3A_6 = arith.constant 0 : index
    %get3A_7 = vector.load %arg3[%get3A_4, %get3A_5, %get3A_6] : memref<2x16x32xf32, #tpu.memory_space<vmem>>, vector<1x16x32xf32>
    %get3A_8 = vector.shape_cast %get3A_7 : vector<1x16x32xf32> to vector<16x32xf32>
    %dot_general3A = arith.constant dense<0.000000e+00> : vector<1000x32xf32>
    %dot_general3A_9 = tpu.matmul %get3A_3, %get3A_8, %dot_general3A {dimension_numbers = #tpu.dot_dimension_numbers<[1], [0], [0], [1], [0, 0, 1, 1], [], []>, transpose_lhs_hint = false} : vector<1000x16xf32>, vector<16x32xf32>, vector<1000x32xf32> -> vector<1000x32xf32>
    %get3A_10 = arith.constant 1 : index
    %get3A_11 = arith.constant 0 : index
    %get3A_12 = arith.constant 0 : index
    %get3A_13 = vector.load %arg1[%get3A_10, %get3A_11, %get3A_12] : memref<2x1000x16xf32, #tpu.memory_space<vmem>>, vector<1x1000x16xf32>
    %get3A_14 = vector.shape_cast %get3A_13 : vector<1x1000x16xf32> to vector<1000x16xf32>
    %get3A_15 = arith.constant 1 : index
    %get3A_16 = arith.constant 0 : index
    %get3A_17 = arith.constant 0 : index
    %get3A_18 = vector.load %arg3[%get3A_15, %get3A_16, %get3A_17] : memref<2x16x32xf32, #tpu.memory_space<vmem>>, vector<1x16x32xf32>
    %get3A_19 = vector.shape_cast %get3A_18 : vector<1x16x32xf32> to vector<16x32xf32>
    %dot_general3A_20 = arith.constant dense<0.000000e+00> : vector<1000x32xf32>
    %dot_general3A_21 = tpu.matmul %get3A_14, %get3A_19, %dot_general3A_20 {dimension_numbers = #tpu.dot_dimension_numbers<[1], [0], [0], [1], [0, 0, 1, 1], [], []>, transpose_lhs_hint = false} : vector<1000x16xf32>, vector<16x32xf32>, vector<1000x32xf32> -> vector<1000x32xf32>
    %add3A = arith.addf %dot_general3A_9, %dot_general3A_21 : vector<1000x32xf32>
    %get3A_22 = arith.constant 0 : index
    %get3A_23 = arith.constant 0 : index
    %get3A_24 = vector.load %arg2[%get3A_22, %get3A_23] : memref<1000x8xf32, #tpu.memory_space<vmem>>, vector<1000x1xf32>
    %mul3A = vector.broadcast %get3A_24 : vector<1000x1xf32> to vector<1000x32xf32>
    %mul3A_25 = arith.mulf %add3A, %mul3A : vector<1000x32xf32>
    %get3A_26 = arith.constant 0 : index
    %get3A_27 = arith.constant 0 : index
    %get3A_28 = vector.load %arg4[%get3A_26, %get3A_27] : memref<1x32xf32, #tpu.memory_space<vmem>>, vector<1x32xf32>
    %add3A_29 = vector.broadcast %get3A_28 : vector<1x32xf32> to vector<1000x32xf32>
    %add3A_30 = arith.addf %mul3A_25, %add3A_29 : vector<1000x32xf32>
    %max3A = arith.constant 0.000000e+00 : f32
    %max3A_31 = vector.broadcast %max3A : f32 to vector<1000x32xf32>
    %max3A_32 = arith.maximumf %add3A_30, %max3A_31 : vector<1000x32xf32>
    %swap3A = arith.constant 0 : index
    %swap3A_33 = arith.constant 0 : index
    %swap3A_34 = vector.load %arg5[%swap3A, %swap3A_33] : memref<1000x32xf32, #tpu.memory_space<vmem>>, vector<1000x32xf32>
    tpu.vector_store %arg5[%swap3A, %swap3A_33], %max3A_32 {strides = array<i32>} : memref<1000x32xf32, #tpu.memory_space<vmem>>, vector<1000x32xf32>,
    return
  }
  func.func @transform_0(%arg0: i32) -> (i32, i32, i32) {
    %c0_i32 = arith.constant 0 : i32
    %c0_i32_0 = arith.constant 0 : i32
    %c0_i32_1 = arith.constant 0 : i32
    return %c0_i32, %arg0, %c0_i32_0 : i32, i32, i32
  }
  func.func @transform_1(%arg0: i32) -> (i32, i32) {
    %c0_i32 = arith.constant 0 : i32
    %c0_i32_0 = arith.constant 0 : i32
    return %arg0, %c0_i32 : i32, i32
  }
  func.func @transform_2(%arg0: i32) -> (i32, i32, i32) {
    %c0_i32 = arith.constant 0 : i32
    %c0_i32_0 = arith.constant 0 : i32
    %c0_i32_1 = arith.constant 0 : i32
    %c0_i32_2 = arith.constant 0 : i32
    return %c0_i32, %c0_i32_0, %c0_i32_1 : i32, i32, i32
  }
  func.func @transform_3(%arg0: i32) -> (i32, i32) {
    %c0_i32 = arith.constant 0 : i32
    %c0_i32_0 = arith.constant 0 : i32
    %c0_i32_1 = arith.constant 0 : i32
    return %c0_i32, %c0_i32_0 : i32, i32
  }
  func.func @transform_4(%arg0: i32) -> (i32, i32) {
    %c0_i32 = arith.constant 0 : i32
    %c0_i32_0 = arith.constant 0 : i32
    return %arg0, %c0_i32 : i32, i32
  }
}

</mosaic_0001>

<sc_bundles>
// kernel: kernel.6.cloned.1.call-start
scs
__scs_entry_jumppad:
0x0: {  	(pc) =	sbr.rel $0x88, $3  }
0x1: {  	(tag) =	ssettag $0x0;
	lr =	simm.s32 $0x1  }
0x2: {  	[smem:$0x3F9B] =	sst lr;
	_ =	strace $0xD0000000  }
0x3: {  	_ = 	snop  }
0x4: {  	_ = 	snop  }
0x5: {  	_ = 	snop  }
0x6: {  	_ = 	snop  }
0x7: {  	_ = 	snop  }
__scs_overlays_trampoline_lowered:
0x8: {  	[smem:$0x3FAA] =	sst s0  }
0x9: {  	[smem:$0x3FAB] =	sst s1  }
0xa: {  	[smem:$0x3FAC] =	sst s2  }
0xb: {  	[smem:$0x3FAD] =	sst s3  }
0xc: {  	[smem:$0x3FAE] =	sst s4  }
0xd: {  	[smem:$0x3FAF] =	sst s5  }
0xe: {  	[smem:$0x3FB0] =	sst s6  }
0xf: {  	[smem:$0x3FB1] =	sst s7  }
0x10: {  	[smem:$0x3FB2] =	sst s8  }
0x11: {  	[smem:$0x3FB3] =	sst s9;
	s0 =	simm.s32 @!p0 $0x0  }
0x12: {  	s1 =	sld [smem:$0x3F99];
	s0 =	simm.s32 @p0 $0x1  }
0x13: {  	[smem:$0x3FB4] =	sst s0;
	s0 =	simm.s32 @!p1 $0x0  }
0x14: {  	s2 =	sld [smem:$0x3F98];
	s0 =	simm.s32 @p1 $0x1  }
0x15: {  	[smem:$0x3FB5] =	sst s0;
	s0 =	simm.s32 @!p2 $0x0  }
0x16: {  	s3 =	sld [smem:$0x3FDB];
	s0 =	simm.s32 @p2 $0x1  }
0x17: {  	s4 =	simm.s32 $0x1BF5;
	[smem:$0x3FB7] =	sst s0  }
0x18: {  	s0 =	sld [smem:$0x3F9A];
	_ =	swait.ge [sflag:s4], $0x0  }
0x19: {  	s7 =	sld [smem:$0x3F9B]  }
0x1a: {  	s8 =	sadd.s32 $0xFFFFE003, lr  }
0x1b: {  	s9 =	sadd.s32 $0xFFFFFEF7, lr;
	s5 =	simm.s32 $0xFFFFFFFF;
	p2 =	slt.u32 s8, $0xFFFFF086  }
0x1c: {  	p1 =	slt.u32 s9, $0xF7A;
	s5 =	simm.s32 @!p2 $0x0  }
0x1d: {  	s5 =	simm.s32 @p1 $0x1;
	p0 =	seq.s32 s7, s2  }
0x1e: {  	s7 =	smul.u32 @!p0 $0xF7A, s2;
	p2 =	seq.s32 @!p0 s5, $0x0  }
0x1f: {  	s9 =	smul.u32 $0xF7A, s1;
	s8 =	simm.s32 @!p0 $0x1BF5;
	p2 =	por !p2, p0  }
0x20: {  	[sflag:s8] =	ssyncset.s32 @!p0 $0xFFFFF086;
	s6 =	sadd.s32 @!p0 s3, s7;
	s7 =	simm.s32 @!p0 $0x108  }
0x21: {  	s3 =	sadd.s32 s3, s9;
	s6 =	sadd.s32 @!p0 $0x88, s6;
	s7 =	simm.s32 @p2 $0x1082  }
0x22: {  	[simem:s7], [sflag:s8] =	dma.local @!p0 [hbm:s6], $0xF7A  }
0x23: {  	s9 =	sor.u32 $0xD0000000, s2;
	s6 =	simm.s32 $0x108;
	_ =	swait.ge @!p0 [sflag:s8], $0x0  }
0x24: {  	s3 =	sadd.s32 $0x88, s3;
	s6 =	simm.s32 @!p1 $0x1082;
	[sflag:s4] =	ssyncset.s32 $0xFFFFF086  }
0x25: {  	[simem:s6], [sflag:s4] =	dma.local [hbm:s3], $0xF7A  }
0x26: {  	[smem:$0x3F9B] =	sst s1;
	(tag) =	ssettag s2;
	_ =	strace s9  }
0x27: {  	s1 =	sld [smem:$0x3FAB]  }
0x28: {  	s2 =	sld [smem:$0x3FAC]  }
0x29: {  	s4 =	sld [smem:$0x3FAE]  }
0x2a: {  	p0 =	seq.s32 s5, $0x0;
	s5 =	sld [smem:$0x3FAF]  }
0x2b: {  	s6 =	sld [smem:$0x3FB0]  }
0x2c: {  	s7 =	sld [smem:$0x3FB1]  }
0x2d: {  	s3 =	simm.s32 $0x108;
	s8 =	sld [smem:$0x3FB2]  }
0x2e: {  	s3 =	simm.s32 @!p0 $0x1082;
	s9 =	sld [smem:$0x3FB3]  }
0x2f: {  	lr =	sadd.s32 s0, s3;
	s0 =	sld [smem:$0x3FAA]  }
0x30: {  	s3 =	sld [smem:$0x3FAD]  }
0x31: {  	[smem:$0x3FB6] =	sst s10  }
0x32: {  	s10 =	sld [smem:$0x3FB4];
	_ =	sdelay $0x3  }
0x33: {  	p0 =	seq.s32 s10, $0x1;
	s10 =	sld [smem:$0x3FB6];
	_ =	sdelay $0x3  }
0x34: {  	[smem:$0x3FB6] =	sst s10  }
0x35: {  	s10 =	sld [smem:$0x3FB5];
	_ =	sdelay $0x3  }
0x36: {  	p1 =	seq.s32 s10, $0x1;
	s10 =	sld [smem:$0x3FB6];
	_ =	sdelay $0x3  }
0x37: {  	[smem:$0x3FB6] =	sst s10  }
0x38: {  	s10 =	sld [smem:$0x3FB7]  }
0x39: {  	_ = 	snop;
	(pc) =	sbr.ind lr, $3  }
0x3a: {  	_ = 	snop  }
0x3b: {  	_ = 	snop  }
0x3c: {  	p2 =	seq.s32 s10, $0x1;
	s10 =	sld [smem:$0x3FB6]  }
0x3d: {  	_ =	shalt  }
0x3e: {  	_ =	shalt  }
0x3f: {  	_ =	shalt  }
0x40: {  	_ =	shalt  }
0x41: {  	_ =	shalt  }
0x42: {  	_ =	shalt  }
0x43: {  	_ =	shalt  }
0x44: {  	_ =	shalt  }
0x45: {  	_ =	shalt  }
0x46: {  	_ =	shalt  }
0x47: {  	_ =	shalt  }
0x48: {  	_ =	shalt  }
0x49: {  	_ =	shalt  }
0x4a: {  	_ =	shalt  }
0x4b: {  	_ =	shalt  }
0x4c: {  	_ =	shalt  }
0x4d: {  	_ =	shalt  }
0x4e: {  	_ =	shalt  }
0x4f: {  	_ =	shalt  }
0x50: {  	_ =	shalt  }
0x51: {  	_ =	shalt  }
0x52: {  	_ =	shalt  }
0x53: {  	_ =	shalt  }
0x54: {  	_ =	shalt  }
0x55: {  	_ =	shalt  }
0x56: {  	_ =	shalt  }
0x57: {  	_ =	shalt  }
0x58: {  	_ =	shalt  }
0x59: {  	_ =	shalt  }
0x5a: {  	_ =	shalt  }
0x5b: {  	_ =	shalt  }
0x5c: {  	_ =	shalt  }
0x5d: {  	_ =	shalt  }
0x5e: {  	_ =	shalt  }
0x5f: {  	_ =	shalt  }
0x60: {  	_ =	shalt  }
0x61: {  	_ =	shalt  }
0x62: {  	_ =	shalt  }
0x63: {  	_ =	shalt  }
0x64: {  	_ =	shalt  }
0x65: {  	_ =	shalt  }
0x66: {  	_ =	shalt  }
0x67: {  	_ =	shalt  }
0x68: {  	_ =	shalt  }
0x69: {  	_ =	shalt  }
0x6a: {  	_ =	shalt  }
0x6b: {  	_ =	shalt  }
0x6c: {  	_ =	shalt  }
0x6d: {  	_ =	shalt  }
0x6e: {  	_ =	shalt  }
0x6f: {  	_ =	shalt  }
0x70: {  	_ =	shalt  }
0x71: {  	_ =	shalt  }
0x72: {  	_ =	shalt  }
0x73: {  	_ =	shalt  }
0x74: {  	_ =	shalt  }
0x75: {  	_ =	shalt  }
0x76: {  	_ =	shalt  }
0x77: {  	_ =	shalt  }
0x78: {  	_ =	shalt  }
0x79: {  	_ =	shalt  }
0x7a: {  	_ =	shalt  }
0x7b: {  	_ =	shalt  }
0x7c: {  	_ =	shalt  }
0x7d: {  	_ =	shalt  }
0x7e: {  	_ =	shalt  }
0x7f: {  	_ =	shalt  }
0x80: {  	_ =	shalt  }
0x81: {  	_ =	shalt  }
0x82: {  	_ =	shalt  }
0x83: {  	_ =	shalt  }
0x84: {  	_ =	shalt  }
0x85: {  	_ =	shalt  }
0x86: {  	_ =	shalt  }
0x87: {  	_ =	shalt  }
.Lfunc_end0:
.L_simem_size_0:
called_computation_lowered:
.L_overlay_start_0:
0x88: {  	s2 =	sld [smem:$0x3FD9]  }
0x89: {  	s3 =	sld [smem:$0x3FFE];
	_ =	sdelay $0x1  }
0x8a: {  	s1 =	srdreg.scid  }
0x8b: {  	s0 =	sand.u32 $0x1, s1  }
0x8c: {  	s17 =	sshll.u32 s0, $0xA;
	s2 =	sadd.s32 s3, s2  }
0x8d: {  	s2 =	sadd.s32 s2, s17  }
0x8e: {  	[smem:$0x3FC2] =	sst s2  }
0x8f: {  	_ = 	snop  }
0x90: {  	s2 =	sld [smem:$0x3FD0];
	(tm) =	ssettm $0x1  }
0x91: {  	s18 =	sld [smem:$0x3FFB];
	_ =	sdelay $0x3  }
0x92: {  	_ =	strace s18  }
0x93: {  	s3 =	sld [smem:$0x3FFC];
	_ =	sdelay $0x3  }
0x94: {  	_ =	strace s3  }
0x95: {  	s3 =	sld [smem:$0x3FFD];
	_ =	sdelay $0x3  }
0x96: {  	_ =	strace s3  }
0x97: {  	_ =	strace $0x8FFFFFFF  }
0x98: {  	s19 =	sld [smem:$0x3FDB];
	_ =	sdelay $0x1  }
0x99: {  	s4 =	simm.s32 $_scs_section_size  }
0x9a: {  	s5 =	simm.s32 $_size__tile_overlayer_lowered;
	s6 =	simm.s32 $_tile_overlayer_lowered  }
0x9b: {  	s22 =	simm.s32 $0x1BFF;
	s21 =	sshll.u32 s6, $0x1;
	s3 =	sadd.s32 s4, s19  }
0x9c: {  	s7 =	simm.s32 $0x0;
	s20 =	sshll.u32 s5, $0x1;
	s5 =	sadd.s32 s21, s3  }
0x9d: {  	[timem:s7], [sflag:s22] =	dma.local [hbm:s5], s20  }
0x9e: {  	_ =	swait.ge [sflag:s22], s20  }
0x9f: {  	s4 =	ssub.s32 $0x0, s20;
	[sflag:s22] =	ssyncset.done $0x0  }
0xa0: {  	[sflag:s22] =	ssyncadd.s32 s4;
	_ =	sdelay $0x1  }
0xa1: {  	s23 =	simm.s32 $0x1B8B  }
0xa2: {  	_ =	swait.ge [sflag:s23], $0x1  }
0xa3: {  	[sflag:s23] =	ssyncset.done $0x0  }
0xa4: {  	s25 =	simm.s32 $0x1B8E;
	s24 =	sld [smem:$0x3FFE];
	[sflag:s23] =	ssyncadd.s32 $0xFFFFFFFF  }
0xa5: {  	s26 =	simm.s32 $execute0_lowered;
	[smem:$0x3FD2] =	sst s25  }
0xa6: {  	s5 =	sshll.u32 s26, $0x1;
	_ =	strace $0x80000046;
	[dreg:$0x1] =	wrdreg $0xFFFFFFFF  }
0xa7: {  	s28 =	simm.s32 $_size_execute0_lowered;
	s3 =	sadd.s32 s3, s5;
	[dreg:$0x0] =	wrdreg $0x0  }
0xa8: {  	s5 =	sshll.u32 s28, $0x1;
	[dreg:$0x2] =	wrdreg s3  }
0xa9: {  	[dreg:$0x3] =	wrdreg s5  }
0xaa: {  	[dreg:$0x4] =	wrdreg $0xC0  }
0xab: {  	_ =	task [dreg:s7], $0x5FFFF  }
0xac: {  	[dreg:$0x1] =	wrdreg $0xFFFFFFFF  }
0xad: {  	[dreg:$0x0] =	wrdreg $0x60  }
0xae: {  	[dreg:$0x2] =	wrdreg s24  }
0xaf: {  	[dreg:$0x3] =	wrdreg s2  }
0xb0: {  	[dreg:$0x4] =	wrdreg $0x6C000  }
0xb1: {  	[dreg:$0x5] =	wrdreg $0x9  }
0xb2: {  	_ =	task.clear_ibuf [dreg:s7], $0x6FFFF;
	_ =	strace $0x90000046  }
0xb3: {  	s29 =	simm.s32 $0x9;
	_ =	strace $0x80000048  }
0xb4: {  	_ =	swait.ge [sflag:s29], $0x1  }
0xb5: {  	[sflag:s29] =	ssyncadd.s32 $0xFFFFFFFF  }
0xb6: {  	_ =	strace $0x90000048  }
0xb7: {  	_ =	sfence  }
0xb8: {  	s30 =	sld [smem:$0x0];
	_ =	sdelay $0x2  }
0xb9: {  	s31 =	sshll.u32 s1, $0xD;
	s1 =	sshrl.u32 s1, $0x2  }
0xba: {  	s3 =	sand.u32 $0x4000, s31;
	s1 =	sadd.s32 s1, s30  }
0xbb: {  	s0 =	sor.u32 s3, s0;
	s1 =	sshll.u32 s1, $0x11  }
0xbc: {  	s0 =	sor.u32 s1, s0  }
0xbd: {  	s0 =	sadd.s32 $0x8F2B, s0  }
0xbe: {  	[sflag:s0] =	ssyncadd.remote.s32 $0x1  }
0xbf: {  	_ =	sfence.sel $0xFFFF  }
0xc0: {  	[dreg:$0x0] =	wrdreg $0xFFFFFFFF;
	(pc) =	sbr.abs _section_cstart, $3  }
0xc1: {  	[dreg:$0x1] =	wrdreg $0xFFFFFFFF  }
0xc2: {  	_ =	task.clear_ibuf [dreg:s7], $0x2FFFF;
	_ =	strace $0x9FFFFFFF  }
0xc3: {  	(tm) =	ssettm $0x7FFFFFFF  }
tec
execute0_lowered:
.L_overlay_start_1:
0x0: {  	(tag) =	ssettag $0x1  }
0x1: {  	s0 =	rddreg [dreg:$0x0]  }
0x2: {  	s1 =	rddreg [dreg:$0x1]  }
0x3: {  	s2 =	rddreg [dreg:$0x2]  }
0x4: {  	s3 =	simm.s32 $0x0;
	s12 =	stileid.u32;
	s6 =	srdreg.scid  }
0x5: {  	s30 =	simm.s32 $0x900;
	s31 =	simm.s32 $0x3;
	s29 =	simm.s32 $0x5C00  }
0x6: {  	s28 =	simm.s32 $0x0;
	[smem:$0x7FF] =	sst s3;
	s5 =	smul.u32 $0x18700, s12  }
0x7: {  	s4 =	sadd.s32 $0x1000, s0;
	s7 =	sand.u32 $0x1, s6;
	s8 =	sadd.s32 $0xF5400, s0  }
0x8: {  	s10 =	sadd.s32 $0x1B9200, s0;
	s16 =	sshll.u32 s12, $0x6;
	s18 =	smul.u32 $0x30F, s12  }
0x9: {  	s22 =	smul.u32 $0x61E0, s12;
	_ =	strace $0x80000047;
	s9 =	ssub.s32 $0x2, s7  }
0xa: {  	s13 =	sshll.u32 s7, $0x4;
	s6 =	sor.u32 $0x1C05, s16;
	s17 =	smul.u32 $0x30F0, s7  }
0xb: {  	s21 =	smul.u32 $0x61E00, s7;
	s26 =	sshrl.u32 s5, $0x3;
	s11 =	sshrl.u32 s9, $0x1  }
0xc: {  	s14 =	sadd.s32 s5, s2;
	s9 =	ssub.s32 s9, s11;
	s11 =	smul.u32 $0x187000, s7  }
0xd: {  	s15 =	sor.u32 s12, s13;
	s0 =	sadd.s32 s26, s0;
	s16 =	sshrl.u32 s14, $0x3  }
0xe: {  	s0 =	sadd.s32 $0x31E00, s0;
	s19 =	smax.u32 s9, $0x1;
	s5 =	sadd.s32 s5, s11  }
0xf: {  	[dreg:$0x4] =	wrdreg s0;
	s0 =	smul.u32 $0x61E0, s15;
	s5 =	sshrl.u32 s5, $0x3  }
0x10: {  	[dreg:$0x7] =	wrdreg s19;
	s19 =	simm.s32 $0x100;
	s1 =	sadd.s32 s1, s5  }
0x11: {  	s13 =	sadd.s32 s8, s0;
	s20 =	sadd.s32 s10, s0;
	[dreg:$0x6] =	wrdreg s1  }
0x12: {  	s0 =	sadd.s32 $0x60, s0;
	s5 =	sadd.s32 s21, s10;
	[dreg:$0x8] =	wrdreg s20  }
0x13: {  	s1 =	sadd.s32 s18, s17;
	s23 =	sadd.s32 s8, s0;
	[dreg:$0x5] =	wrdreg s13  }
0x14: {  	s0 =	sadd.s32 s10, s0;
	s25 =	sadd.s32 s22, s5;
	[dreg:$0x9] =	wrdreg s23  }
0x15: {  	s26 =	sadd.s32 $0xC0, s13;
	s17 =	simm.s32 $0x5;
	[dreg:$0xa] =	wrdreg s0  }
0x16: {  	s22 =	simm.s32 $0x4C00;
	s1 =	sshll.u32 s1, $0x5;
	[dreg:$0xb] =	wrdreg s26  }
0x17: {  	s9 =	sadd.s32 $0xC0, s25;
	s23 =	simm.s32 $0x2C00;
	s25 =	simm.s32 $0x1  }
0x18: {  	s26 =	simm.s32 $0x4;
	s0 =	simm.s32 $0x3C00;
	s24 =	sadd.s32 s8, s1  }
0x19: {  	s1 =	simm.s32 $0x2;
	s8 =	sadd.s32 $0x120, s24;
	s24 =	simm.s32 $0x300  }
.LBB2_1:
0x1a: {  	s5 =	rddreg [dreg:$0x4]  }
0x1b: {  	[spmem:s16], [sflag:s6] =	dma.local [hbm:s5], $0x30E0  }
0x1c: {  	_ =	swait.ge [sflag:s17], $0x30E0  }
0x1d: {  	[sflag:s17] =	ssyncset.done $0x0  }
0x1e: {  	[sflag:s17] =	ssyncadd.s32 $0xFFFFCF20  }
0x1f: {  	[bflag:$0x0] =	sbarrier.arrive $0xFFFF  }
0x20: {  	s18 =	rddreg [dreg:$0x5]  }
0x21: {  	[tilespmem:s3], [sflag:$0x5] =	stream.linear.gather [hbm4b:s18+s3], $0x300, $0x38;
	[tilespmem:$0x1F300] =	vst v63  }
0x22: {  	_ =	swait.ge [sflag:s17], $0x300  }
0x23: {  	[sflag:s17] =	ssyncset.done $0x0  }
0x24: {  	s7 =	simm.s32 $0x600;
	s20 =	rddreg [dreg:$0x8];
	[sflag:s17] =	ssyncadd.s32 $0xFFFFFD00  }
0x25: {  	[tilespmem:s7], [sflag:$0x4] =	stream.linear.gather [hbm4b:s20+s3], $0x300, $0x38;
	[tilespmem:$0x1F300] =	vst v63  }
0x26: {  	s10 =	simm.s32 $0xC00  }
0x27: {  	[tilespmem:s10], [sflag:$0x1] =	stream.indirect.gather [hbm4b:s4+s19], $0x10, s3, s19, $0xb8;
	[tilespmem:$0x1F300] =	vst v63  }
0x28: {  	s11 =	simm.s32 $0x1C00  }
0x29: {  	[tilespmem:s11], [sflag:$0x1] =	stream.indirect.gather [hbm4b:s4+s19], $0x10, s19, s19, $0xb8;
	[tilespmem:$0x1F300] =	vst v63  }
0x2a: {  	s21 =	simm.s32 $0x200  }
0x2b: {  	[tilespmem:s23], [sflag:$0x1] =	stream.indirect.gather [hbm4b:s4+s19], $0x10, s21, s19, $0xb8;
	[tilespmem:$0x1F300] =	vst v63  }
0x2c: {  	s12 =	rddreg [dreg:$0x9]  }
0x2d: {  	[tilespmem:s24], [sflag:$0x3] =	stream.linear.gather [hbm4b:s12+s3], $0x300, $0x38;
	[tilespmem:$0x1F300] =	vst v63  }
0x2e: {  	_ =	swait.ge [sflag:s25], $0x1000  }
0x2f: {  	[sflag:s25] =	ssyncset.done $0x0  }
0x30: {  	[sflag:s25] =	ssyncadd.s32 $0xFFFFF000  }
0x31: {  	_ =	swait.ge [sflag:s25], $0x1000  }
0x32: {  	[sflag:s25] =	ssyncset.done $0x0  }
0x33: {  	[sflag:s25] =	ssyncadd.s32 $0xFFFFF000  }
0x34: {  	_ =	swait.ge [sflag:s25], $0x1000  }
0x35: {  	[sflag:s25] =	ssyncset.done $0x0  }
0x36: {  	[sflag:s25] =	ssyncadd.s32 $0xFFFFF000  }
0x37: {  	_ =	swait.ge [sflag:s26], $0x300  }
0x38: {  	[sflag:s26] =	ssyncset.done $0x0  }
0x39: {  	[sflag:s26] =	ssyncadd.s32 $0xFFFFFD00  }
0x3a: {  	[spmem:s2] =	stream.indirect.scatter.add.f32 [tilespmem:s10], [sflag:$0x2], $0x10, s7, s19, $0xb8;
	[tilespmem:$0x1F300] =	vst v63  }
0x3b: {  	s13 =	simm.s32 $0x700  }
0x3c: {  	[spmem:s2] =	stream.indirect.scatter.add.f32 [tilespmem:s11], [sflag:$0x2], $0x10, s13, s19, $0xb8;
	[tilespmem:$0x1F300] =	vst v63  }
0x3d: {  	s14 =	simm.s32 $0x800  }
0x3e: {  	[spmem:s2] =	stream.indirect.scatter.add.f32 [tilespmem:s23], [sflag:$0x2], $0x10, s14, s19, $0xb8;
	[tilespmem:$0x1F300] =	vst v63  }
0x3f: {  	s15 =	rddreg [dreg:$0xa]  }
0x40: {  	[tilespmem:s30], [sflag:$0x4] =	stream.linear.gather [hbm4b:s15+s3], $0x300, $0x38;
	[tilespmem:$0x1F300] =	vst v63  }
0x41: {  	_ =	swait.ge [sflag:s31], $0x300  }
0x42: {  	[sflag:s31] =	ssyncset.done $0x0  }
0x43: {  	[sflag:s31] =	ssyncadd.s32 $0xFFFFFD00  }
0x44: {  	[tilespmem:s0], [sflag:$0x1] =	stream.indirect.gather [hbm4b:s4+s19], $0x10, s24, s19, $0xb8;
	[tilespmem:$0x1F300] =	vst v63  }
0x45: {  	s18 =	simm.s32 $0x400  }
0x46: {  	[tilespmem:s22], [sflag:$0x1] =	stream.indirect.gather [hbm4b:s4+s19], $0x10, s18, s19, $0xb8;
	[tilespmem:$0x1F300] =	vst v63  }
0x47: {  	s20 =	simm.s32 $0x500  }
0x48: {  	[tilespmem:s29], [sflag:$0x1] =	stream.indirect.gather [hbm4b:s4+s19], $0x10, s20, s19, $0xb8;
	[tilespmem:$0x1F300] =	vst v63  }
0x49: {  	s21 =	rddreg [dreg:$0xb]  }
0x4a: {  	[tilespmem:s3], [sflag:$0x3] =	stream.linear.gather [hbm4b:s21+s3], $0x300, $0x38;
	[tilespmem:$0x1F300] =	vst v63  }
0x4b: {  	_ =	swait.ge [sflag:s25], $0x1000  }
0x4c: {  	[sflag:s25] =	ssyncset.done $0x0  }
0x4d: {  	[sflag:s25] =	ssyncadd.s32 $0xFFFFF000  }
0x4e: {  	_ =	swait.ge [sflag:s25], $0x1000  }
0x4f: {  	[sflag:s25] =	ssyncset.done $0x0  }
0x50: {  	[sflag:s25] =	ssyncadd.s32 $0xFFFFF000  }
0x51: {  	_ =	swait.ge [sflag:s25], $0x1000  }
0x52: {  	[sflag:s25] =	ssyncset.done $0x0  }
0x53: {  	[sflag:s25] =	ssyncadd.s32 $0xFFFFF000  }
0x54: {  	_ =	swait.ge [sflag:s26], $0x300  }
0x55: {  	[sflag:s26] =	ssyncset.done $0x0  }
0x56: {  	[sflag:s26] =	ssyncadd.s32 $0xFFFFFD00  }
0x57: {  	[spmem:s2] =	stream.indirect.scatter.add.f32 [tilespmem:s0], [sflag:$0x2], $0x10, s30, s19, $0xb8;
	[tilespmem:$0x1F300] =	vst v63  }
0x58: {  	s7 =	simm.s32 $0xA00  }
0x59: {  	[spmem:s2] =	stream.indirect.scatter.add.f32 [tilespmem:s22], [sflag:$0x2], $0x10, s7, s19, $0xb8;
	[tilespmem:$0x1F300] =	vst v63  }
0x5a: {  	s10 =	simm.s32 $0xB00  }
0x5b: {  	[spmem:s2] =	stream.indirect.scatter.add.f32 [tilespmem:s29], [sflag:$0x2], $0x10, s10, s19, $0xb8;
	[tilespmem:$0x1F300] =	vst v63  }
0x5c: {  	_ =	swait.ge [sflag:s1], $0x1000  }
0x5d: {  	[sflag:s1] =	ssyncset.done $0x0  }
0x5e: {  	[sflag:s1] =	ssyncadd.s32 $0xFFFFF000  }
0x5f: {  	_ =	swait.ge [sflag:s1], $0x1000  }
0x60: {  	[sflag:s1] =	ssyncset.done $0x0  }
0x61: {  	s11 =	sand.u32 $0x1, s1;
	[sflag:s1] =	ssyncadd.s32 $0xFFFFF000  }
0x62: {  	s7 =	smul.u32 $0x300, s11;
	_ =	swait.ge [sflag:s1], $0x1000  }
0x63: {  	[sflag:s1] =	ssyncset.done $0x0  }
0x64: {  	s20 =	smul.u32 $0xC000, s11;
	s14 =	sadd.s32 $0x600, s7;
	[sflag:s1] =	ssyncadd.s32 $0xFFFFF000  }
0x65: {  	[tilespmem:s14], [sflag:$0x4] =	stream.linear.gather [hbm4b:s9+s3], $0x300, $0x38;
	[tilespmem:$0x1F300] =	vst v63  }
0x66: {  	s10 =	sshrl.u32 s20, $0x2;
	_ =	swait.ge [sflag:s31], $0x300  }
0x67: {  	s15 =	sadd.s32 $0x100, s7;
	s12 =	sadd.s32 $0x200, s7;
	[sflag:s31] =	ssyncset.done $0x0  }
0x68: {  	s21 =	sor.u32 $0xC00, s10;
	s18 =	sshll.u32 s15, $0x4;
	[sflag:s31] =	ssyncadd.s32 $0xFFFFFD00  }
0x69: {  	[tilespmem:s21], [sflag:$0x1] =	stream.indirect.gather [hbm4b:s4+s19], $0x10, s7, s19, $0xb8;
	[tilespmem:$0x1F300] =	vst v63  }
0x6a: {  	s5 =	sxor.u32 $0x1, s11;
	s20 =	sshll.u32 s12, $0x4;
	s13 =	sor.u32 $0xC00, s18  }
0x6b: {  	[tilespmem:s13], [sflag:$0x1] =	stream.indirect.gather [hbm4b:s4+s19], $0x10, s15, s19, $0xb8;
	[tilespmem:$0x1F300] =	vst v63  }
0x6c: {  	s5 =	smul.u32 $0xC00, s5;
	s10 =	sor.u32 $0xC00, s20  }
0x6d: {  	[tilespmem:s10], [sflag:$0x1] =	stream.indirect.gather [hbm4b:s4+s19], $0x10, s12, s19, $0xb8;
	[tilespmem:$0x1F300] =	vst v63  }
0x6e: {  	s5 =	sshrl.u32 s5, $0x2  }
0x6f: {  	[tilespmem:s5], [sflag:$0x3] =	stream.linear.gather [hbm4b:s8+s3], $0x300, $0x38;
	[tilespmem:$0x1F300] =	vst v63  }
0x70: {  	_ =	swait.ge [sflag:s25], $0x1000  }
0x71: {  	[sflag:s25] =	ssyncset.done $0x0  }
0x72: {  	[sflag:s25] =	ssyncadd.s32 $0xFFFFF000  }
0x73: {  	_ =	swait.ge [sflag:s25], $0x1000  }
0x74: {  	[sflag:s25] =	ssyncset.done $0x0  }
0x75: {  	[sflag:s25] =	ssyncadd.s32 $0xFFFFF000  }
0x76: {  	_ =	swait.ge [sflag:s25], $0x1000  }
0x77: {  	[sflag:s25] =	ssyncset.done $0x0  }
0x78: {  	[sflag:s25] =	ssyncadd.s32 $0xFFFFF000  }
0x79: {  	_ =	swait.ge [sflag:s26], $0x300  }
0x7a: {  	[sflag:s26] =	ssyncset.done $0x0  }
0x7b: {  	s15 =	smov.u32 s9;
	s5 =	simm.s32 $0x3;
	[sflag:s26] =	ssyncadd.s32 $0xFFFFFD00  }
0x7c: {  	[spmem:s2] =	stream.indirect.scatter.add.f32 [tilespmem:s21], [sflag:$0x2], $0x10, s14, s19, $0xb8;
	[tilespmem:$0x1F300] =	vst v63  }
0x7d: {  	s21 =	sadd.s32 $0x700, s7;
	s7 =	sor.u32 $0x800, s7;
	s14 =	smov.u32 s8  }
0x7e: {  	[spmem:s2] =	stream.indirect.scatter.add.f32 [tilespmem:s13], [sflag:$0x2], $0x10, s21, s19, $0xb8;
	[tilespmem:$0x1F300] =	vst v63  }
.LBB2_2:
0x7f: {  	p0 =	sne.s32 s5, $0x104;
	s14 =	sadd.s32 $0x60, s14;
	s15 =	sadd.s32 $0x60, s15  }
0x80: {  	[spmem:s2] =	stream.indirect.scatter.add.f32 [tilespmem:s10], [sflag:$0x2], $0x10, s7, s19, $0xb8;
	[tilespmem:$0x1F300] =	vst v63  }
0x81: {  	s7 =	smov.u32 s5;
	s5 =	sadd.s32 $0x1, s5;
	_ =	swait.ge [sflag:s1], $0x1000  }
0x82: {  	[sflag:s1] =	ssyncset.done $0x0  }
0x83: {  	[sflag:s1] =	ssyncadd.s32 $0xFFFFF000  }
0x84: {  	_ =	swait.ge [sflag:s1], $0x1000  }
0x85: {  	s10 =	sand.u32 $0x1, s7;
	[sflag:s1] =	ssyncset.done $0x0  }
0x86: {  	s7 =	smul.u32 $0x300, s10;
	s11 =	sxor.u32 $0x1, s10;
	[sflag:s1] =	ssyncadd.s32 $0xFFFFF000  }
0x87: {  	s10 =	smul.u32 $0xC000, s10;
	_ =	swait.ge [sflag:s1], $0x1000  }
0x88: {  	s11 =	smul.u32 $0xC00, s11;
	s12 =	sadd.s32 $0x600, s7;
	[sflag:s1] =	ssyncset.done $0x0  }
0x89: {  	[sflag:s1] =	ssyncadd.s32 $0xFFFFF000  }
0x8a: {  	[tilespmem:s12], [sflag:$0x4] =	stream.linear.gather [hbm4b:s15+s3], $0x300, $0x38;
	[tilespmem:$0x1F300] =	vst v63  }
0x8b: {  	s10 =	sshrl.u32 s10, $0x2;
	_ =	swait.ge [sflag:s31], $0x300  }
0x8c: {  	s13 =	sor.u32 $0xC00, s10;
	s10 =	sadd.s32 $0x100, s7;
	[sflag:s31] =	ssyncset.done $0x0  }
0x8d: {  	s20 =	sadd.s32 $0x200, s7;
	s18 =	sshll.u32 s10, $0x4;
	[sflag:s31] =	ssyncadd.s32 $0xFFFFFD00  }
0x8e: {  	[tilespmem:s13], [sflag:$0x1] =	stream.indirect.gather [hbm4b:s4+s19], $0x10, s7, s19, $0xb8;
	[tilespmem:$0x1F300] =	vst v63  }
0x8f: {  	s21 =	sshll.u32 s20, $0x4;
	s18 =	sor.u32 $0xC00, s18  }
0x90: {  	[tilespmem:s18], [sflag:$0x1] =	stream.indirect.gather [hbm4b:s4+s19], $0x10, s10, s19, $0xb8;
	[tilespmem:$0x1F300] =	vst v63  }
0x91: {  	s11 =	sshrl.u32 s11, $0x2;
	s10 =	sor.u32 $0xC00, s21  }
0x92: {  	[tilespmem:s10], [sflag:$0x1] =	stream.indirect.gather [hbm4b:s4+s19], $0x10, s20, s19, $0xb8;
	[tilespmem:$0x1F300] =	vst v63  }
0x93: {  	_ = 	snop  }
0x94: {  	[tilespmem:s11], [sflag:$0x3] =	stream.linear.gather [hbm4b:s14+s3], $0x300, $0x38;
	[tilespmem:$0x1F300] =	vst v63  }
0x95: {  	_ =	swait.ge [sflag:s25], $0x1000  }
0x96: {  	[sflag:s25] =	ssyncset.done $0x0  }
0x97: {  	[sflag:s25] =	ssyncadd.s32 $0xFFFFF000  }
0x98: {  	_ =	swait.ge [sflag:s25], $0x1000  }
0x99: {  	[sflag:s25] =	ssyncset.done $0x0  }
0x9a: {  	[sflag:s25] =	ssyncadd.s32 $0xFFFFF000  }
0x9b: {  	_ =	swait.ge [sflag:s25], $0x1000  }
0x9c: {  	[sflag:s25] =	ssyncset.done $0x0  }
0x9d: {  	[sflag:s25] =	ssyncadd.s32 $0xFFFFF000  }
0x9e: {  	_ =	swait.ge [sflag:s26], $0x300  }
.Ltmp0:
0x9f: {  	[sflag:s26] =	ssyncset.done $0x0;
	(pc) =	sbr.rel @p0 .LBB2_2-.Ltmp0, $4  }
0xa0: {  	s11 =	sadd.s32 $0x700, s7;
	[sflag:s26] =	ssyncadd.s32 $0xFFFFFD00  }
0xa1: {  	[spmem:s2] =	stream.indirect.scatter.add.f32 [tilespmem:s13], [sflag:$0x2], $0x10, s12, s19, $0xb8;
	[tilespmem:$0x1F300] =	vst v63  }
0xa2: {  	s7 =	sor.u32 $0x800, s7  }
0xa3: {  	[spmem:s2] =	stream.indirect.scatter.add.f32 [tilespmem:s18], [sflag:$0x2], $0x10, s11, s19, $0xb8;
	[tilespmem:$0x1F300] =	vst v63  }
0xa4: {  	[spmem:s2] =	stream.indirect.scatter.add.f32 [tilespmem:s10], [sflag:$0x2], $0x10, s7, s19, $0xb8;
	[tilespmem:$0x1F300] =	vst v63  }
0xa5: {  	_ =	swait.ge [sflag:s1], $0x1000  }
0xa6: {  	[sflag:s1] =	ssyncset.done $0x0  }
0xa7: {  	[sflag:s1] =	ssyncadd.s32 $0xFFFFF000  }
0xa8: {  	_ =	swait.ge [sflag:s1], $0x1000  }
0xa9: {  	[sflag:s1] =	ssyncset.done $0x0  }
0xaa: {  	[sflag:s1] =	ssyncadd.s32 $0xFFFFF000  }
0xab: {  	_ =	swait.ge [sflag:s1], $0x1000  }
0xac: {  	[sflag:s1] =	ssyncset.done $0x0  }
0xad: {  	[sflag:s1] =	ssyncadd.s32 $0xFFFFF000  }
0xae: {  	_ =	swait.ge [sflag:s1], $0x1000  }
0xaf: {  	[sflag:s1] =	ssyncset.done $0x0  }
0xb0: {  	[sflag:s1] =	ssyncadd.s32 $0xFFFFF000  }
0xb1: {  	_ =	swait.ge [sflag:s1], $0x1000  }
0xb2: {  	[sflag:s1] =	ssyncset.done $0x0  }
0xb3: {  	[sflag:s1] =	ssyncadd.s32 $0xFFFFF000  }
0xb4: {  	_ =	swait.ge [sflag:s1], $0x1000  }
0xb5: {  	[sflag:s1] =	ssyncset.done $0x0  }
0xb6: {  	[sflag:s1] =	ssyncadd.s32 $0xFFFFF000  }
0xb7: {  	_ =	swait.ge [sflag:s31], $0x300  }
0xb8: {  	[sflag:s31] =	ssyncset.done $0x0  }
0xb9: {  	[sflag:s31] =	ssyncadd.s32 $0xFFFFFD00  }
0xba: {  	[bflag:$0x0] =	sbarrier.arrive $0xFFFF  }
0xbb: {  	s5 =	rddreg [dreg:$0x6]  }
0xbc: {  	[hbm:s5], [sflag:s6] =	dma.local [spmem:s16], $0x30E0  }
0xbd: {  	_ =	swait.ge [sflag:s17], $0x30E0  }
0xbe: {  	s28 =	sadd.s32 $0x1, s28;
	s21 =	rddreg [dreg:$0x7]  }
0xbf: {  	p0 =	sne.s32 s28, s21  }
.Ltmp1:
0xc0: {  	_ = 	snop;
	(pc) =	sbr.rel @p0 .LBB2_1-.Ltmp1, $3  }
0xc1: {  	_ =	sdelay $0x1  }
0xc2: {  	[sflag:s17] =	ssyncset.done $0x0  }
0xc3: {  	[sflag:s17] =	ssyncadd.s32 $0xFFFFCF20  }
0xc4: {  	_ =	sfence.sel $0x180000  }
0xc5: {  	[bflag:$0x0] =	sbarrier.arrive $0xFFFF  }
0xc6: {  	_ =	strace $0x90000047  }
0xc7: {  	s0 =	stileid.u32;
	[bflag:$0x2] =	sbarrier.arrive $0xFFFF  }
0xc8: {  	p0 =	sne.s32 s0, $0x0;
	s0 =	rddreg [dreg:$0x3]  }
0xc9: {  	s0 =	sadd.s32 @!p0 $0x100000, s0  }
0xca: {  	[sflag:s0] =	ssyncadd.tile.s32 @!p0 $0x1;
	_ =	shalt  }
.Lfunc_end2:
_tile_overlayer_lowered:
.L_overlay_start_2:
0xcb: {  	(tag) =	ssettag $0x2  }
0xcc: {  	s0 =	rddreg [dreg:$0x0];
	s2 =	stileid.u32  }
0xcd: {  	s1 =	rddreg [dreg:$0x1];
	p0 =	sne.s32 s2, $0x0  }
0xce: {  	s3 =	rddreg [dreg:$0x2];
	[bflag:$0x3] =	sbarrier.arrive $0xFFFF;
	s2 =	simm.s32 @!p0 $0x1C05  }
0xcf: {  	[timem:s3], [sflag:s2] =	dma.local @!p0 [hbm:s0], s1  }
0xd0: {  	s0 =	simm.s32 @!p0 $0x5  }
0xd1: {  	_ =	swait.ge @!p0 [sflag:s0], s1  }
0xd2: {  	s1 =	ssub.s32 @!p0 $0x0, s1;
	[sflag:s0] =	ssyncset.done @!p0 $0x0  }
0xd3: {  	[sflag:s0] =	ssyncadd.s32 @!p0 s1  }
0xd4: {  	[bflag:$0x3] =	sbarrier.arrive $0xFFFF  }
0xd5: {  	_ =	shalt  }

// kernel: kernel.9.cloned.1.call-start
scs
__scs_entry_jumppad:
0x0: {  	(pc) =	sbr.rel $0x88, $3  }
0x1: {  	(tag) =	ssettag $0x0;
	lr =	simm.s32 $0x1  }
0x2: {  	[smem:$0x3F9B] =	sst lr;
	_ =	strace $0xD0000000  }
0x3: {  	_ = 	snop  }
0x4: {  	_ = 	snop  }
0x5: {  	_ = 	snop  }
0x6: {  	_ = 	snop  }
0x7: {  	_ = 	snop  }
__scs_overlays_trampoline_lowered:
0x8: {  	[smem:$0x3FAA] =	sst s0  }
0x9: {  	[smem:$0x3FAB] =	sst s1  }
0xa: {  	[smem:$0x3FAC] =	sst s2  }
0xb: {  	[smem:$0x3FAD] =	sst s3  }
0xc: {  	[smem:$0x3FAE] =	sst s4  }
0xd: {  	[smem:$0x3FAF] =	sst s5  }
0xe: {  	[smem:$0x3FB0] =	sst s6  }
0xf: {  	[smem:$0x3FB1] =	sst s7  }
0x10: {  	[smem:$0x3FB2] =	sst s8  }
0x11: {  	[smem:$0x3FB3] =	sst s9;
	s0 =	simm.s32 @!p0 $0x0  }
0x12: {  	s1 =	sld [smem:$0x3F99];
	s0 =	simm.s32 @p0 $0x1  }
0x13: {  	[smem:$0x3FB4] =	sst s0;
	s0 =	simm.s32 @!p1 $0x0  }
0x14: {  	s2 =	sld [smem:$0x3F98];
	s0 =	simm.s32 @p1 $0x1  }
0x15: {  	[smem:$0x3FB5] =	sst s0;
	s0 =	simm.s32 @!p2 $0x0  }
0x16: {  	s3 =	sld [smem:$0x3FDB];
	s0 =	simm.s32 @p2 $0x1  }
0x17: {  	s4 =	simm.s32 $0x1BF5;
	[smem:$0x3FB7] =	sst s0  }
0x18: {  	s0 =	sld [smem:$0x3F9A];
	_ =	swait.ge [sflag:s4], $0x0  }
0x19: {  	s7 =	sld [smem:$0x3F9B]  }
0x1a: {  	s8 =	sadd.s32 $0xFFFFE003, lr  }
0x1b: {  	s9 =	sadd.s32 $0xFFFFFEF7, lr;
	s5 =	simm.s32 $0xFFFFFFFF;
	p2 =	slt.u32 s8, $0xFFFFF086  }
0x1c: {  	p1 =	slt.u32 s9, $0xF7A;
	s5 =	simm.s32 @!p2 $0x0  }
0x1d: {  	s5 =	simm.s32 @p1 $0x1;
	p0 =	seq.s32 s7, s2  }
0x1e: {  	s7 =	smul.u32 @!p0 $0xF7A, s2;
	p2 =	seq.s32 @!p0 s5, $0x0  }
0x1f: {  	s9 =	smul.u32 $0xF7A, s1;
	s8 =	simm.s32 @!p0 $0x1BF5;
	p2 =	por !p2, p0  }
0x20: {  	[sflag:s8] =	ssyncset.s32 @!p0 $0xFFFFF086;
	s6 =	sadd.s32 @!p0 s3, s7;
	s7 =	simm.s32 @!p0 $0x108  }
0x21: {  	s3 =	sadd.s32 s3, s9;
	s6 =	sadd.s32 @!p0 $0x88, s6;
	s7 =	simm.s32 @p2 $0x1082  }
0x22: {  	[simem:s7], [sflag:s8] =	dma.local @!p0 [hbm:s6], $0xF7A  }
0x23: {  	s9 =	sor.u32 $0xD0000000, s2;
	s6 =	simm.s32 $0x108;
	_ =	swait.ge @!p0 [sflag:s8], $0x0  }
0x24: {  	s3 =	sadd.s32 $0x88, s3;
	s6 =	simm.s32 @!p1 $0x1082;
	[sflag:s4] =	ssyncset.s32 $0xFFFFF086  }
0x25: {  	[simem:s6], [sflag:s4] =	dma.local [hbm:s3], $0xF7A  }
0x26: {  	[smem:$0x3F9B] =	sst s1;
	(tag) =	ssettag s2;
	_ =	strace s9  }
0x27: {  	s1 =	sld [smem:$0x3FAB]  }
0x28: {  	s2 =	sld [smem:$0x3FAC]  }
0x29: {  	s4 =	sld [smem:$0x3FAE]  }
0x2a: {  	p0 =	seq.s32 s5, $0x0;
	s5 =	sld [smem:$0x3FAF]  }
0x2b: {  	s6 =	sld [smem:$0x3FB0]  }
0x2c: {  	s7 =	sld [smem:$0x3FB1]  }
0x2d: {  	s3 =	simm.s32 $0x108;
	s8 =	sld [smem:$0x3FB2]  }
0x2e: {  	s3 =	simm.s32 @!p0 $0x1082;
	s9 =	sld [smem:$0x3FB3]  }
0x2f: {  	lr =	sadd.s32 s0, s3;
	s0 =	sld [smem:$0x3FAA]  }
0x30: {  	s3 =	sld [smem:$0x3FAD]  }
0x31: {  	[smem:$0x3FB6] =	sst s10  }
0x32: {  	s10 =	sld [smem:$0x3FB4];
	_ =	sdelay $0x3  }
0x33: {  	p0 =	seq.s32 s10, $0x1;
	s10 =	sld [smem:$0x3FB6];
	_ =	sdelay $0x3  }
0x34: {  	[smem:$0x3FB6] =	sst s10  }
0x35: {  	s10 =	sld [smem:$0x3FB5];
	_ =	sdelay $0x3  }
0x36: {  	p1 =	seq.s32 s10, $0x1;
	s10 =	sld [smem:$0x3FB6];
	_ =	sdelay $0x3  }
0x37: {  	[smem:$0x3FB6] =	sst s10  }
0x38: {  	s10 =	sld [smem:$0x3FB7]  }
0x39: {  	_ = 	snop;
	(pc) =	sbr.ind lr, $3  }
0x3a: {  	_ = 	snop  }
0x3b: {  	_ = 	snop  }
0x3c: {  	p2 =	seq.s32 s10, $0x1;
	s10 =	sld [smem:$0x3FB6]  }
0x3d: {  	_ =	shalt  }
0x3e: {  	_ =	shalt  }
0x3f: {  	_ =	shalt  }
0x40: {  	_ =	shalt  }
0x41: {  	_ =	shalt  }
0x42: {  	_ =	shalt  }
0x43: {  	_ =	shalt  }
0x44: {  	_ =	shalt  }
0x45: {  	_ =	shalt  }
0x46: {  	_ =	shalt  }
0x47: {  	_ =	shalt  }
0x48: {  	_ =	shalt  }
0x49: {  	_ =	shalt  }
0x4a: {  	_ =	shalt  }
0x4b: {  	_ =	shalt  }
0x4c: {  	_ =	shalt  }
0x4d: {  	_ =	shalt  }
0x4e: {  	_ =	shalt  }
0x4f: {  	_ =	shalt  }
0x50: {  	_ =	shalt  }
0x51: {  	_ =	shalt  }
0x52: {  	_ =	shalt  }
0x53: {  	_ =	shalt  }
0x54: {  	_ =	shalt  }
0x55: {  	_ =	shalt  }
0x56: {  	_ =	shalt  }
0x57: {  	_ =	shalt  }
0x58: {  	_ =	shalt  }
0x59: {  	_ =	shalt  }
0x5a: {  	_ =	shalt  }
0x5b: {  	_ =	shalt  }
0x5c: {  	_ =	shalt  }
0x5d: {  	_ =	shalt  }
0x5e: {  	_ =	shalt  }
0x5f: {  	_ =	shalt  }
0x60: {  	_ =	shalt  }
0x61: {  	_ =	shalt  }
0x62: {  	_ =	shalt  }
0x63: {  	_ =	shalt  }
0x64: {  	_ =	shalt  }
0x65: {  	_ =	shalt  }
0x66: {  	_ =	shalt  }
0x67: {  	_ =	shalt  }
0x68: {  	_ =	shalt  }
0x69: {  	_ =	shalt  }
0x6a: {  	_ =	shalt  }
0x6b: {  	_ =	shalt  }
0x6c: {  	_ =	shalt  }
0x6d: {  	_ =	shalt  }
0x6e: {  	_ =	shalt  }
0x6f: {  	_ =	shalt  }
0x70: {  	_ =	shalt  }
0x71: {  	_ =	shalt  }
0x72: {  	_ =	shalt  }
0x73: {  	_ =	shalt  }
0x74: {  	_ =	shalt  }
0x75: {  	_ =	shalt  }
0x76: {  	_ =	shalt  }
0x77: {  	_ =	shalt  }
0x78: {  	_ =	shalt  }
0x79: {  	_ =	shalt  }
0x7a: {  	_ =	shalt  }
0x7b: {  	_ =	shalt  }
0x7c: {  	_ =	shalt  }
0x7d: {  	_ =	shalt  }
0x7e: {  	_ =	shalt  }
0x7f: {  	_ =	shalt  }
0x80: {  	_ =	shalt  }
0x81: {  	_ =	shalt  }
0x82: {  	_ =	shalt  }
0x83: {  	_ =	shalt  }
0x84: {  	_ =	shalt  }
0x85: {  	_ =	shalt  }
0x86: {  	_ =	shalt  }
0x87: {  	_ =	shalt  }
.Lfunc_end0:
.L_simem_size_0:
called_computation.1_lowered:
.L_overlay_start_0:
0x88: {  	s2 =	sld [smem:$0x3FD9]  }
0x89: {  	s3 =	sld [smem:$0x3FFE];
	_ =	sdelay $0x1  }
0x8a: {  	s1 =	srdreg.scid  }
0x8b: {  	s0 =	sand.u32 $0x1, s1  }
0x8c: {  	s17 =	sshll.u32 s0, $0xA;
	s2 =	sadd.s32 s3, s2  }
0x8d: {  	s2 =	sadd.s32 s2, s17  }
0x8e: {  	[smem:$0x3FC2] =	sst s2  }
0x8f: {  	_ = 	snop  }
0x90: {  	s2 =	sld [smem:$0x3FD0];
	(tm) =	ssettm $0x1  }
0x91: {  	s18 =	sld [smem:$0x3FFB];
	_ =	sdelay $0x3  }
0x92: {  	_ =	strace s18  }
0x93: {  	s3 =	sld [smem:$0x3FFC];
	_ =	sdelay $0x3  }
0x94: {  	_ =	strace s3  }
0x95: {  	s3 =	sld [smem:$0x3FFD];
	_ =	sdelay $0x3  }
0x96: {  	_ =	strace s3  }
0x97: {  	_ =	strace $0x8FFFFFFF  }
0x98: {  	s19 =	sld [smem:$0x3FDB];
	_ =	sdelay $0x1  }
0x99: {  	s4 =	simm.s32 $_scs_section_size  }
0x9a: {  	s5 =	simm.s32 $_size__tile_overlayer_lowered;
	s6 =	simm.s32 $_tile_overlayer_lowered  }
0x9b: {  	s22 =	simm.s32 $0x1BFF;
	s21 =	sshll.u32 s6, $0x1;
	s3 =	sadd.s32 s4, s19  }
0x9c: {  	s7 =	simm.s32 $0x0;
	s20 =	sshll.u32 s5, $0x1;
	s5 =	sadd.s32 s21, s3  }
0x9d: {  	[timem:s7], [sflag:s22] =	dma.local [hbm:s5], s20  }
0x9e: {  	_ =	swait.ge [sflag:s22], s20  }
0x9f: {  	s4 =	ssub.s32 $0x0, s20;
	[sflag:s22] =	ssyncset.done $0x0  }
0xa0: {  	[sflag:s22] =	ssyncadd.s32 s4;
	_ =	sdelay $0x1  }
0xa1: {  	s23 =	simm.s32 $0x1B8B  }
0xa2: {  	_ =	swait.ge [sflag:s23], $0x1  }
0xa3: {  	[sflag:s23] =	ssyncset.done $0x0  }
0xa4: {  	s25 =	simm.s32 $0x1B8E;
	s24 =	sld [smem:$0x3FFE];
	[sflag:s23] =	ssyncadd.s32 $0xFFFFFFFF  }
0xa5: {  	s26 =	simm.s32 $execute0_lowered;
	[smem:$0x3FD2] =	sst s25  }
0xa6: {  	s5 =	sshll.u32 s26, $0x1;
	_ =	strace $0x80000049;
	[dreg:$0x1] =	wrdreg $0xFFFFFFFF  }
0xa7: {  	s28 =	simm.s32 $_size_execute0_lowered;
	s3 =	sadd.s32 s3, s5;
	[dreg:$0x0] =	wrdreg $0x0  }
0xa8: {  	s5 =	sshll.u32 s28, $0x1;
	[dreg:$0x2] =	wrdreg s3  }
0xa9: {  	[dreg:$0x3] =	wrdreg s5  }
0xaa: {  	[dreg:$0x4] =	wrdreg $0xC0  }
0xab: {  	_ =	task [dreg:s7], $0x5FFFF  }
0xac: {  	[dreg:$0x1] =	wrdreg $0xFFFFFFFF  }
0xad: {  	[dreg:$0x0] =	wrdreg $0x60  }
0xae: {  	[dreg:$0x2] =	wrdreg s24  }
0xaf: {  	[dreg:$0x3] =	wrdreg s2  }
0xb0: {  	[dreg:$0x4] =	wrdreg $0x6C000  }
0xb1: {  	[dreg:$0x5] =	wrdreg $0x9  }
0xb2: {  	_ =	task.clear_ibuf [dreg:s7], $0x6FFFF;
	_ =	strace $0x90000049  }
0xb3: {  	s29 =	simm.s32 $0x9;
	_ =	strace $0x8000004B  }
0xb4: {  	_ =	swait.ge [sflag:s29], $0x1  }
0xb5: {  	[sflag:s29] =	ssyncadd.s32 $0xFFFFFFFF  }
0xb6: {  	_ =	strace $0x9000004B  }
0xb7: {  	_ =	sfence  }
0xb8: {  	s30 =	sld [smem:$0x0];
	_ =	sdelay $0x2  }
0xb9: {  	s31 =	sshll.u32 s1, $0xD;
	s1 =	sshrl.u32 s1, $0x2  }
0xba: {  	s3 =	sand.u32 $0x4000, s31;
	s1 =	sadd.s32 s1, s30  }
0xbb: {  	s0 =	sor.u32 s3, s0;
	s1 =	sshll.u32 s1, $0x11  }
0xbc: {  	s0 =	sor.u32 s1, s0  }
0xbd: {  	s0 =	sadd.s32 $0x8F2B, s0  }
0xbe: {  	[sflag:s0] =	ssyncadd.remote.s32 $0x1  }
0xbf: {  	_ =	sfence.sel $0xFFFF  }
0xc0: {  	[dreg:$0x0] =	wrdreg $0xFFFFFFFF;
	(pc) =	sbr.abs _section_cstart, $3  }
0xc1: {  	[dreg:$0x1] =	wrdreg $0xFFFFFFFF  }
0xc2: {  	_ =	task.clear_ibuf [dreg:s7], $0x2FFFF;
	_ =	strace $0x9FFFFFFF  }
0xc3: {  	(tm) =	ssettm $0x7FFFFFFF  }
tec
execute0_lowered:
.L_overlay_start_1:
0x0: {  	(tag) =	ssettag $0x1  }
0x1: {  	s0 =	rddreg [dreg:$0x0]  }
0x2: {  	s2 =	rddreg [dreg:$0x1]  }
0x3: {  	s3 =	srdreg.scid;
	s1 =	rddreg [dreg:$0x2]  }
0x4: {  	s12 =	stileid.u32;
	s30 =	simm.s32 $0x900;
	s31 =	simm.s32 $0x3  }
0x5: {  	s29 =	simm.s32 $0x5C00;
	s28 =	simm.s32 $0x0;
	s4 =	sand.u32 $0x1, s3  }
0x6: {  	s3 =	simm.s32 $0x0;
	s15 =	smul.u32 $0x18700, s12;
	s8 =	sadd.s32 $0xF5400, s0  }
0x7: {  	s9 =	sadd.s32 $0x1B9200, s0;
	s18 =	sshll.u32 s12, $0x6;
	s13 =	smul.u32 $0xC3C0, s12  }
0x8: {  	s5 =	smul.u32 $0x30D40, s4;
	[smem:$0x7FF] =	sst s3;
	s6 =	ssub.s32 $0x2, s4  }
0x9: {  	s4 =	smul.u32 $0x187000, s4;
	_ =	strace $0x8000004A;
	s10 =	sshrl.u32 s15, $0x3  }
0xa: {  	s11 =	sshrl.u32 s6, $0x1;
	s17 =	sadd.s32 s15, s1;
	s20 =	sadd.s32 s8, s13  }
0xb: {  	s22 =	sadd.s32 s9, s13;
	s23 =	sadd.s32 $0x60, s13;
	s25 =	sadd.s32 $0xC0, s13  }
0xc: {  	s7 =	sadd.s32 s5, s0;
	s0 =	sadd.s32 s10, s0;
	s16 =	ssub.s32 s6, s11  }
0xd: {  	s4 =	sadd.s32 s15, s4;
	s5 =	sor.u32 $0x1C05, s18;
	[dreg:$0x8] =	wrdreg s22  }
0xe: {  	s24 =	sadd.s32 s8, s23;
	s26 =	sadd.s32 s8, s25;
	[dreg:$0x5] =	wrdreg s20  }
0xf: {  	s8 =	sadd.s32 $0x120, s20;
	s22 =	simm.s32 $0x4C00;
	s0 =	sadd.s32 $0x31E00, s0  }
0x10: {  	s19 =	sshrl.u32 s4, $0x3;
	s7 =	sadd.s32 $0x62C00, s7;
	[dreg:$0x9] =	wrdreg s24  }
0x11: {  	s21 =	smax.u32 s16, $0x1;
	[dreg:$0xb] =	wrdreg s26;
	s16 =	sshrl.u32 s17, $0x3  }
0x12: {  	s17 =	simm.s32 $0x5;
	s24 =	simm.s32 $0x300;
	[dreg:$0x4] =	wrdreg s0  }
0x13: {  	s26 =	simm.s32 $0x4;
	s0 =	sadd.s32 s2, s19;
	[dreg:$0x7] =	wrdreg s21  }
0x14: {  	s19 =	simm.s32 $0x100;
	s2 =	simm.s32 $0x2;
	[dreg:$0x6] =	wrdreg s0  }
0x15: {  	s0 =	sadd.s32 s9, s23;
	s9 =	sadd.s32 s9, s25;
	s23 =	simm.s32 $0x2C00  }
0x16: {  	s25 =	simm.s32 $0x1;
	[dreg:$0xa] =	wrdreg s0;
	s0 =	simm.s32 $0x3C00  }
.LBB2_1:
0x17: {  	s4 =	rddreg [dreg:$0x4]  }
0x18: {  	[spmem:s16], [sflag:s5] =	dma.local [hbm:s4], $0x30E0  }
0x19: {  	_ =	swait.ge [sflag:s17], $0x30E0  }
0x1a: {  	[sflag:s17] =	ssyncset.done $0x0  }
0x1b: {  	[sflag:s17] =	ssyncadd.s32 $0xFFFFCF20  }
0x1c: {  	[bflag:$0x0] =	sbarrier.arrive $0xFFFF  }
0x1d: {  	s15 =	rddreg [dreg:$0x5]  }
0x1e: {  	[tilespmem:s3], [sflag:$0x5] =	stream.linear.gather [hbm4b:s15+s3], $0x300, $0x38;
	[tilespmem:$0x1F300] =	vst v63  }
0x1f: {  	_ =	swait.ge [sflag:s17], $0x300  }
0x20: {  	[sflag:s17] =	ssyncset.done $0x0  }
0x21: {  	s6 =	simm.s32 $0x600;
	s18 =	rddreg [dreg:$0x8];
	[sflag:s17] =	ssyncadd.s32 $0xFFFFFD00  }
0x22: {  	[tilespmem:s6], [sflag:$0x4] =	stream.linear.gather [hbm4b:s18+s3], $0x300, $0x38;
	[tilespmem:$0x1F300] =	vst v63  }
0x23: {  	s10 =	simm.s32 $0xC00  }
0x24: {  	[tilespmem:s10], [sflag:$0x1] =	stream.indirect.gather [hbm4b:s7+s19], $0x10, s3, s19, $0xb8;
	[tilespmem:$0x1F300] =	vst v63  }
0x25: {  	s11 =	simm.s32 $0x1C00  }
0x26: {  	[tilespmem:s11], [sflag:$0x1] =	stream.indirect.gather [hbm4b:s7+s19], $0x10, s19, s19, $0xb8;
	[tilespmem:$0x1F300] =	vst v63  }
0x27: {  	s20 =	simm.s32 $0x200  }
0x28: {  	[tilespmem:s23], [sflag:$0x1] =	stream.indirect.gather [hbm4b:s7+s19], $0x10, s20, s19, $0xb8;
	[tilespmem:$0x1F300] =	vst v63  }
0x29: {  	s21 =	rddreg [dreg:$0x9]  }
0x2a: {  	[tilespmem:s24], [sflag:$0x3] =	stream.linear.gather [hbm4b:s21+s3], $0x300, $0x38;
	[tilespmem:$0x1F300] =	vst v63  }
0x2b: {  	_ =	swait.ge [sflag:s25], $0x1000  }
0x2c: {  	[sflag:s25] =	ssyncset.done $0x0  }
0x2d: {  	[sflag:s25] =	ssyncadd.s32 $0xFFFFF000  }
0x2e: {  	_ =	swait.ge [sflag:s25], $0x1000  }
0x2f: {  	[sflag:s25] =	ssyncset.done $0x0  }
0x30: {  	[sflag:s25] =	ssyncadd.s32 $0xFFFFF000  }
0x31: {  	_ =	swait.ge [sflag:s25], $0x1000  }
0x32: {  	[sflag:s25] =	ssyncset.done $0x0  }
0x33: {  	[sflag:s25] =	ssyncadd.s32 $0xFFFFF000  }
0x34: {  	_ =	swait.ge [sflag:s26], $0x300  }
0x35: {  	[sflag:s26] =	ssyncset.done $0x0  }
0x36: {  	[sflag:s26] =	ssyncadd.s32 $0xFFFFFD00  }
0x37: {  	[spmem:s1] =	stream.indirect.scatter.add.f32 [tilespmem:s10], [sflag:$0x2], $0x10, s6, s19, $0xb8;
	[tilespmem:$0x1F300] =	vst v63  }
0x38: {  	s10 =	simm.s32 $0x700  }
0x39: {  	[spmem:s1] =	stream.indirect.scatter.add.f32 [tilespmem:s11], [sflag:$0x2], $0x10, s10, s19, $0xb8;
	[tilespmem:$0x1F300] =	vst v63  }
0x3a: {  	s12 =	simm.s32 $0x800  }
0x3b: {  	[spmem:s1] =	stream.indirect.scatter.add.f32 [tilespmem:s23], [sflag:$0x2], $0x10, s12, s19, $0xb8;
	[tilespmem:$0x1F300] =	vst v63  }
0x3c: {  	s13 =	rddreg [dreg:$0xa]  }
0x3d: {  	[tilespmem:s30], [sflag:$0x4] =	stream.linear.gather [hbm4b:s13+s3], $0x300, $0x38;
	[tilespmem:$0x1F300] =	vst v63  }
0x3e: {  	_ =	swait.ge [sflag:s31], $0x300  }
0x3f: {  	[sflag:s31] =	ssyncset.done $0x0  }
0x40: {  	[sflag:s31] =	ssyncadd.s32 $0xFFFFFD00  }
0x41: {  	[tilespmem:s0], [sflag:$0x1] =	stream.indirect.gather [hbm4b:s7+s19], $0x10, s24, s19, $0xb8;
	[tilespmem:$0x1F300] =	vst v63  }
0x42: {  	s14 =	simm.s32 $0x400  }
0x43: {  	[tilespmem:s22], [sflag:$0x1] =	stream.indirect.gather [hbm4b:s7+s19], $0x10, s14, s19, $0xb8;
	[tilespmem:$0x1F300] =	vst v63  }
0x44: {  	s15 =	simm.s32 $0x500  }
0x45: {  	[tilespmem:s29], [sflag:$0x1] =	stream.indirect.gather [hbm4b:s7+s19], $0x10, s15, s19, $0xb8;
	[tilespmem:$0x1F300] =	vst v63  }
0x46: {  	s18 =	rddreg [dreg:$0xb]  }
0x47: {  	[tilespmem:s3], [sflag:$0x3] =	stream.linear.gather [hbm4b:s18+s3], $0x300, $0x38;
	[tilespmem:$0x1F300] =	vst v63  }
0x48: {  	_ =	swait.ge [sflag:s25], $0x1000  }
0x49: {  	[sflag:s25] =	ssyncset.done $0x0  }
0x4a: {  	[sflag:s25] =	ssyncadd.s32 $0xFFFFF000  }
0x4b: {  	_ =	swait.ge [sflag:s25], $0x1000  }
0x4c: {  	[sflag:s25] =	ssyncset.done $0x0  }
0x4d: {  	[sflag:s25] =	ssyncadd.s32 $0xFFFFF000  }
0x4e: {  	_ =	swait.ge [sflag:s25], $0x1000  }
0x4f: {  	[sflag:s25] =	ssyncset.done $0x0  }
0x50: {  	[sflag:s25] =	ssyncadd.s32 $0xFFFFF000  }
0x51: {  	_ =	swait.ge [sflag:s26], $0x300  }
0x52: {  	[sflag:s26] =	ssyncset.done $0x0  }
0x53: {  	[sflag:s26] =	ssyncadd.s32 $0xFFFFFD00  }
0x54: {  	[spmem:s1] =	stream.indirect.scatter.add.f32 [tilespmem:s0], [sflag:$0x2], $0x10, s30, s19, $0xb8;
	[tilespmem:$0x1F300] =	vst v63  }
0x55: {  	s20 =	simm.s32 $0xA00  }
0x56: {  	[spmem:s1] =	stream.indirect.scatter.add.f32 [tilespmem:s22], [sflag:$0x2], $0x10, s20, s19, $0xb8;
	[tilespmem:$0x1F300] =	vst v63  }
0x57: {  	s21 =	simm.s32 $0xB00  }
0x58: {  	[spmem:s1] =	stream.indirect.scatter.add.f32 [tilespmem:s29], [sflag:$0x2], $0x10, s21, s19, $0xb8;
	[tilespmem:$0x1F300] =	vst v63  }
0x59: {  	_ =	swait.ge [sflag:s2], $0x1000  }
0x5a: {  	[sflag:s2] =	ssyncset.done $0x0  }
0x5b: {  	[sflag:s2] =	ssyncadd.s32 $0xFFFFF000  }
0x5c: {  	_ =	swait.ge [sflag:s2], $0x1000  }
0x5d: {  	[sflag:s2] =	ssyncset.done $0x0  }
0x5e: {  	s6 =	sand.u32 $0x1, s2;
	[sflag:s2] =	ssyncadd.s32 $0xFFFFF000  }
0x5f: {  	s11 =	smul.u32 $0x300, s6;
	_ =	swait.ge [sflag:s2], $0x1000  }
0x60: {  	[sflag:s2] =	ssyncset.done $0x0  }
0x61: {  	s12 =	smul.u32 $0xC000, s6;
	s14 =	sadd.s32 $0x600, s11;
	[sflag:s2] =	ssyncadd.s32 $0xFFFFF000  }
0x62: {  	[tilespmem:s14], [sflag:$0x4] =	stream.linear.gather [hbm4b:s9+s3], $0x300, $0x38;
	[tilespmem:$0x1F300] =	vst v63  }
0x63: {  	s10 =	sshrl.u32 s12, $0x2;
	_ =	swait.ge [sflag:s31], $0x300  }
0x64: {  	s12 =	sor.u32 $0xC00, s10;
	s15 =	sadd.s32 $0x100, s11;
	[sflag:s31] =	ssyncset.done $0x0  }
0x65: {  	s13 =	sshll.u32 s15, $0x4;
	s18 =	sadd.s32 $0x200, s11;
	[sflag:s31] =	ssyncadd.s32 $0xFFFFFD00  }
0x66: {  	[tilespmem:s12], [sflag:$0x1] =	stream.indirect.gather [hbm4b:s7+s19], $0x10, s11, s19, $0xb8;
	[tilespmem:$0x1F300] =	vst v63  }
0x67: {  	s4 =	sxor.u32 $0x1, s6;
	s13 =	sor.u32 $0xC00, s13;
	s20 =	sshll.u32 s18, $0x4  }
0x68: {  	[tilespmem:s13], [sflag:$0x1] =	stream.indirect.gather [hbm4b:s7+s19], $0x10, s15, s19, $0xb8;
	[tilespmem:$0x1F300] =	vst v63  }
0x69: {  	s4 =	smul.u32 $0xC00, s4;
	s10 =	sor.u32 $0xC00, s20  }
0x6a: {  	[tilespmem:s10], [sflag:$0x1] =	stream.indirect.gather [hbm4b:s7+s19], $0x10, s18, s19, $0xb8;
	[tilespmem:$0x1F300] =	vst v63  }
0x6b: {  	s4 =	sshrl.u32 s4, $0x2  }
0x6c: {  	[tilespmem:s4], [sflag:$0x3] =	stream.linear.gather [hbm4b:s8+s3], $0x300, $0x38;
	[tilespmem:$0x1F300] =	vst v63  }
0x6d: {  	_ =	swait.ge [sflag:s25], $0x1000  }
0x6e: {  	[sflag:s25] =	ssyncset.done $0x0  }
0x6f: {  	[sflag:s25] =	ssyncadd.s32 $0xFFFFF000  }
0x70: {  	_ =	swait.ge [sflag:s25], $0x1000  }
0x71: {  	[sflag:s25] =	ssyncset.done $0x0  }
0x72: {  	[sflag:s25] =	ssyncadd.s32 $0xFFFFF000  }
0x73: {  	_ =	swait.ge [sflag:s25], $0x1000  }
0x74: {  	[sflag:s25] =	ssyncset.done $0x0  }
0x75: {  	[sflag:s25] =	ssyncadd.s32 $0xFFFFF000  }
0x76: {  	_ =	swait.ge [sflag:s26], $0x300  }
0x77: {  	[sflag:s26] =	ssyncset.done $0x0  }
0x78: {  	s21 =	sadd.s32 $0x700, s11;
	s11 =	sor.u32 $0x800, s11;
	[sflag:s26] =	ssyncadd.s32 $0xFFFFFD00  }
0x79: {  	[spmem:s1] =	stream.indirect.scatter.add.f32 [tilespmem:s12], [sflag:$0x2], $0x10, s14, s19, $0xb8;
	[tilespmem:$0x1F300] =	vst v63  }
0x7a: {  	s15 =	smov.u32 s9;
	s4 =	simm.s32 $0x3;
	s14 =	smov.u32 s8  }
0x7b: {  	[spmem:s1] =	stream.indirect.scatter.add.f32 [tilespmem:s13], [sflag:$0x2], $0x10, s21, s19, $0xb8;
	[tilespmem:$0x1F300] =	vst v63  }
.LBB2_2:
0x7c: {  	p0 =	sne.s32 s4, $0x209;
	s14 =	sadd.s32 $0x60, s14;
	s15 =	sadd.s32 $0x60, s15  }
0x7d: {  	[spmem:s1] =	stream.indirect.scatter.add.f32 [tilespmem:s10], [sflag:$0x2], $0x10, s11, s19, $0xb8;
	[tilespmem:$0x1F300] =	vst v63  }
0x7e: {  	s6 =	smov.u32 s4;
	s4 =	sadd.s32 $0x1, s4;
	_ =	swait.ge [sflag:s2], $0x1000  }
0x7f: {  	[sflag:s2] =	ssyncset.done $0x0  }
0x80: {  	[sflag:s2] =	ssyncadd.s32 $0xFFFFF000  }
0x81: {  	_ =	swait.ge [sflag:s2], $0x1000  }
0x82: {  	s6 =	sand.u32 $0x1, s6;
	[sflag:s2] =	ssyncset.done $0x0  }
0x83: {  	s11 =	smul.u32 $0x300, s6;
	s10 =	sxor.u32 $0x1, s6;
	[sflag:s2] =	ssyncadd.s32 $0xFFFFF000  }
0x84: {  	s6 =	smul.u32 $0xC000, s6;
	_ =	swait.ge [sflag:s2], $0x1000  }
0x85: {  	s13 =	smul.u32 $0xC00, s10;
	s12 =	sadd.s32 $0x600, s11;
	[sflag:s2] =	ssyncset.done $0x0  }
0x86: {  	[sflag:s2] =	ssyncadd.s32 $0xFFFFF000  }
0x87: {  	[tilespmem:s12], [sflag:$0x4] =	stream.linear.gather [hbm4b:s15+s3], $0x300, $0x38;
	[tilespmem:$0x1F300] =	vst v63  }
0x88: {  	s6 =	sshrl.u32 s6, $0x2;
	_ =	swait.ge [sflag:s31], $0x300  }
0x89: {  	s10 =	sadd.s32 $0x100, s11;
	s6 =	sor.u32 $0xC00, s6;
	[sflag:s31] =	ssyncset.done $0x0  }
0x8a: {  	s20 =	sadd.s32 $0x200, s11;
	s18 =	sshll.u32 s10, $0x4;
	[sflag:s31] =	ssyncadd.s32 $0xFFFFFD00  }
0x8b: {  	[tilespmem:s6], [sflag:$0x1] =	stream.indirect.gather [hbm4b:s7+s19], $0x10, s11, s19, $0xb8;
	[tilespmem:$0x1F300] =	vst v63  }
0x8c: {  	s21 =	sshll.u32 s20, $0x4;
	s18 =	sor.u32 $0xC00, s18  }
0x8d: {  	[tilespmem:s18], [sflag:$0x1] =	stream.indirect.gather [hbm4b:s7+s19], $0x10, s10, s19, $0xb8;
	[tilespmem:$0x1F300] =	vst v63  }
0x8e: {  	s13 =	sshrl.u32 s13, $0x2;
	s10 =	sor.u32 $0xC00, s21  }
0x8f: {  	[tilespmem:s10], [sflag:$0x1] =	stream.indirect.gather [hbm4b:s7+s19], $0x10, s20, s19, $0xb8;
	[tilespmem:$0x1F300] =	vst v63  }
0x90: {  	_ = 	snop  }
0x91: {  	[tilespmem:s13], [sflag:$0x3] =	stream.linear.gather [hbm4b:s14+s3], $0x300, $0x38;
	[tilespmem:$0x1F300] =	vst v63  }
0x92: {  	_ =	swait.ge [sflag:s25], $0x1000  }
0x93: {  	[sflag:s25] =	ssyncset.done $0x0  }
0x94: {  	[sflag:s25] =	ssyncadd.s32 $0xFFFFF000  }
0x95: {  	_ =	swait.ge [sflag:s25], $0x1000  }
0x96: {  	[sflag:s25] =	ssyncset.done $0x0  }
0x97: {  	[sflag:s25] =	ssyncadd.s32 $0xFFFFF000  }
0x98: {  	_ =	swait.ge [sflag:s25], $0x1000  }
0x99: {  	[sflag:s25] =	ssyncset.done $0x0  }
0x9a: {  	[sflag:s25] =	ssyncadd.s32 $0xFFFFF000  }
0x9b: {  	_ =	swait.ge [sflag:s26], $0x300  }
.Ltmp0:
0x9c: {  	[sflag:s26] =	ssyncset.done $0x0;
	(pc) =	sbr.rel @p0 .LBB2_2-.Ltmp0, $4  }
0x9d: {  	s13 =	sadd.s32 $0x700, s11;
	[sflag:s26] =	ssyncadd.s32 $0xFFFFFD00  }
0x9e: {  	[spmem:s1] =	stream.indirect.scatter.add.f32 [tilespmem:s6], [sflag:$0x2], $0x10, s12, s19, $0xb8;
	[tilespmem:$0x1F300] =	vst v63  }
0x9f: {  	s11 =	sor.u32 $0x800, s11  }
0xa0: {  	[spmem:s1] =	stream.indirect.scatter.add.f32 [tilespmem:s18], [sflag:$0x2], $0x10, s13, s19, $0xb8;
	[tilespmem:$0x1F300] =	vst v63  }
0xa1: {  	[spmem:s1] =	stream.indirect.scatter.add.f32 [tilespmem:s10], [sflag:$0x2], $0x10, s11, s19, $0xb8;
	[tilespmem:$0x1F300] =	vst v63  }
0xa2: {  	_ =	swait.ge [sflag:s2], $0x1000  }
0xa3: {  	[sflag:s2] =	ssyncset.done $0x0  }
0xa4: {  	[sflag:s2] =	ssyncadd.s32 $0xFFFFF000  }
0xa5: {  	_ =	swait.ge [sflag:s2], $0x1000  }
0xa6: {  	[sflag:s2] =	ssyncset.done $0x0  }
0xa7: {  	[sflag:s2] =	ssyncadd.s32 $0xFFFFF000  }
0xa8: {  	_ =	swait.ge [sflag:s2], $0x1000  }
0xa9: {  	[sflag:s2] =	ssyncset.done $0x0  }
0xaa: {  	[sflag:s2] =	ssyncadd.s32 $0xFFFFF000  }
0xab: {  	_ =	swait.ge [sflag:s2], $0x1000  }
0xac: {  	[sflag:s2] =	ssyncset.done $0x0  }
0xad: {  	[sflag:s2] =	ssyncadd.s32 $0xFFFFF000  }
0xae: {  	_ =	swait.ge [sflag:s2], $0x1000  }
0xaf: {  	[sflag:s2] =	ssyncset.done $0x0  }
0xb0: {  	[sflag:s2] =	ssyncadd.s32 $0xFFFFF000  }
0xb1: {  	_ =	swait.ge [sflag:s2], $0x1000  }
0xb2: {  	[sflag:s2] =	ssyncset.done $0x0  }
0xb3: {  	[sflag:s2] =	ssyncadd.s32 $0xFFFFF000  }
0xb4: {  	_ =	swait.ge [sflag:s31], $0x300  }
0xb5: {  	[sflag:s31] =	ssyncset.done $0x0  }
0xb6: {  	[sflag:s31] =	ssyncadd.s32 $0xFFFFFD00  }
0xb7: {  	[bflag:$0x0] =	sbarrier.arrive $0xFFFF  }
0xb8: {  	s4 =	rddreg [dreg:$0x6]  }
0xb9: {  	[hbm:s4], [sflag:s5] =	dma.local [spmem:s16], $0x30E0  }
0xba: {  	_ =	swait.ge [sflag:s17], $0x30E0  }
0xbb: {  	s28 =	sadd.s32 $0x1, s28;
	s21 =	rddreg [dreg:$0x7]  }
0xbc: {  	p0 =	sne.s32 s28, s21  }
.Ltmp1:
0xbd: {  	_ = 	snop;
	(pc) =	sbr.rel @p0 .LBB2_1-.Ltmp1, $3  }
0xbe: {  	_ =	sdelay $0x1  }
0xbf: {  	[sflag:s17] =	ssyncset.done $0x0  }
0xc0: {  	[sflag:s17] =	ssyncadd.s32 $0xFFFFCF20  }
0xc1: {  	_ =	sfence.sel $0x180000  }
0xc2: {  	[bflag:$0x0] =	sbarrier.arrive $0xFFFF  }
0xc3: {  	_ =	strace $0x9000004A  }
0xc4: {  	s0 =	stileid.u32;
	[bflag:$0x2] =	sbarrier.arrive $0xFFFF  }
0xc5: {  	p0 =	sne.s32 s0, $0x0;
	s0 =	rddreg [dreg:$0x3]  }
0xc6: {  	s0 =	sadd.s32 @!p0 $0x100000, s0  }
0xc7: {  	[sflag:s0] =	ssyncadd.tile.s32 @!p0 $0x1;
	_ =	shalt  }
.Lfunc_end2:
_tile_overlayer_lowered:
.L_overlay_start_2:
0xc8: {  	(tag) =	ssettag $0x2  }
0xc9: {  	s0 =	rddreg [dreg:$0x0];
	s2 =	stileid.u32  }
0xca: {  	s1 =	rddreg [dreg:$0x1];
	p0 =	sne.s32 s2, $0x0  }
0xcb: {  	s3 =	rddreg [dreg:$0x2];
	[bflag:$0x3] =	sbarrier.arrive $0xFFFF;
	s2 =	simm.s32 @!p0 $0x1C05  }
0xcc: {  	[timem:s3], [sflag:s2] =	dma.local @!p0 [hbm:s0], s1  }
0xcd: {  	s0 =	simm.s32 @!p0 $0x5  }
0xce: {  	_ =	swait.ge @!p0 [sflag:s0], s1  }
0xcf: {  	s1 =	ssub.s32 @!p0 $0x0, s1;
	[sflag:s0] =	ssyncset.done @!p0 $0x0  }
0xd0: {  	[sflag:s0] =	ssyncadd.s32 @!p0 s1  }
0xd1: {  	[bflag:$0x3] =	sbarrier.arrive $0xFFFF  }
0xd2: {  	_ =	shalt  }

</sc_bundles>
